<compile_context>
chip_gen: v7x
topology: tpu7x:2x2x1
jax: 0.10.2.dev20260603
libtpu: 0.0.44.dev20260713+nightly
codegen_flags: <defaults>
</compile_context>

<pallas_src>
import functools
import math

import jax
import jax.numpy as jnp
from jax import lax
from jax.experimental import pallas as pl
from jax.experimental.pallas import tpu as pltpu
from jax.experimental.pallas import tpu_sc as plsc

N = 5000
R = 160
G = R // 16
W = 24
HALF_PI = float(math.pi / 2)
PI = float(math.pi)


def _atan_poly(a):
    s = a * a
    p = jnp.float32(-0.0117212)
    p = p * s + jnp.float32(0.05265332)
    p = p * s + jnp.float32(-0.11643287)
    p = p * s + jnp.float32(0.19354346)
    p = p * s + jnp.float32(-0.33262348)
    p = p * s + jnp.float32(0.99997726)
    return a * p


def _atan2(y, x):
    ax = jnp.abs(x)
    ay = jnp.abs(y)
    mx = jnp.maximum(ax, ay)
    mn = jnp.minimum(ax, ay)
    a = mn / jnp.where(mx == 0, jnp.float32(1.0), mx)
    r = _atan_poly(a)
    r = jnp.where(ay > ax, jnp.float32(HALF_PI) - r, r)
    r = jnp.where(x < 0, jnp.float32(PI) - r, r)
    return jnp.where(y < 0, -r, r)


def _atan(t):
    at = jnp.abs(t)
    inv = at > 1
    a = jnp.where(inv, jnp.float32(1.0) / jnp.where(at == 0, jnp.float32(1.0), at), at)
    r = _atan_poly(a)
    r = jnp.where(inv, jnp.float32(HALF_PI) - r, r)
    return jnp.where(t < 0, -r, r)


@functools.partial(
    pl.kernel,
    mesh=plsc.VectorSubcoreMesh(core_axis_name="c", subcore_axis_name="s"),
    compiler_params=pltpu.CompilerParams(needs_layout_passes=False,
                                         use_tc_tiling_on_sc=False,
                                         skip_device_barrier=True),
    out_type=jax.ShapeDtypeStruct((N, 8), jnp.float32),
    scratch_types=[
        pltpu.VMEM((R * W,), jnp.float32),
        pltpu.VMEM((R,), jnp.int32),
        pltpu.VMEM((R, 8), jnp.float32),
        pltpu.SemaphoreType.DMA,
    ],
)
def _sc_decode(in_hbm, lab_hbm, out_hbm, in_v, lab_v, out_v, sem):
    wid = lax.axis_index("s") * 2 + lax.axis_index("c")
    base = jnp.minimum(wid * R, N - R)

    cp0 = pltpu.async_copy(in_hbm.at[pl.ds(base * W, R * W)], in_v, sem)
    cp1 = pltpu.async_copy(lab_hbm.at[pl.ds(base, R)], lab_v, sem)
    cp0.wait()
    cp1.wait()

    iota = jnp.arange(16, dtype=jnp.int32)
    zero = jnp.zeros((16,), jnp.int32)

    def group(g, _):
        r = iota + g * 16
        rw = r * W
        lab = lab_v[pl.ds(g * 16, 16)]
        li = jnp.clip(lab - 1, 0, 2)

        c3 = rw + li * 3
        d0 = plsc.load_gather(in_v, [c3])
        d1 = plsc.load_gather(in_v, [c3 + 1])
        d2 = plsc.load_gather(in_v, [c3 + 2])
        is0 = li == 0
        is1 = li == 1
        m0 = jnp.where(is0, jnp.float32(3.88),
                       jnp.where(is1, jnp.float32(0.84), jnp.float32(1.76)))
        m1 = jnp.where(is0, jnp.float32(1.63),
                       jnp.where(is1, jnp.float32(0.60), jnp.float32(0.60)))
        m2 = jnp.where(is0, jnp.float32(1.53),
                       jnp.where(is1, jnp.float32(1.76), jnp.float32(1.73)))
        pd0 = jnp.exp(d0 / jnp.float32(5.0)) * m0
        pd1 = jnp.exp(d1 / jnp.float32(5.0)) * m1
        pd2 = jnp.exp(d2 / jnp.float32(5.0)) * m2

        l0 = plsc.load_gather(in_v, [rw + 9])
        l1 = plsc.load_gather(in_v, [rw + 10])
        bin1 = l1 > l0
        bcol = rw + jnp.where(bin1, jnp.int32(13), jnp.int32(11))
        sn = plsc.load_gather(in_v, [bcol])
        cs = plsc.load_gather(in_v, [bcol + 1])
        alpha = _atan2(sn, cs) + jnp.where(bin1, jnp.float32(HALF_PI),
                                           jnp.float32(-HALF_PI))

        c2 = rw + li * 2 + 15
        x = plsc.load_gather(in_v, [c2]) / jnp.float32(10.0)
        y = plsc.load_gather(in_v, [c2 + 1]) / jnp.float32(10.0) + jnp.float32(30.0)
        z = plsc.load_gather(in_v, [c2 + 2]) / jnp.float32(10.0)

        ry = alpha + _atan(x / y)

        for j, v in enumerate((ry, pd0, pd1, pd2, x, y, z, alpha)):
            plsc.store_scatter(out_v, [r, zero + j], v)
        return 0

    lax.fori_loop(0, G, group, 0, unroll=2)

    pltpu.sync_copy(out_v, out_hbm.at[pl.ds(base, R)])


def kernel(box3d_dim_regression, box3d_rotation_logits, box3d_rotation_regression,
           box3d_localization_center, labels):
    packed = jnp.concatenate(
        [box3d_dim_regression, box3d_rotation_logits, box3d_rotation_regression,
         box3d_localization_center], axis=1)
    return _sc_decode(packed.reshape(-1), labels.astype(jnp.int32))

# --- scband reference (transcript-rebuilt; emitter-appended) ---
"""Pipeline reference for scband-post-processor-65781719105781 (READ-ONLY COPY).

The authoritative reference and input builder live on the scoring server;
editing this copy changes nothing except your own understanding.
"""

import jax, jax.numpy as jnp
import numpy as np

N = 5000
NUM_FG = 3
NUM_BINS = 2

def setup_inputs(seed: int = 0) -> dict:
    key = jax.random.key(seed)
    k1, k2, k3, k4, k5 = jax.random.split(key, 5)
    return {
        "box3d_dim_regression": jax.random.normal(k1, (N, 3 * NUM_FG), dtype=jnp.float32),
        "box3d_rotation_logits": jax.random.normal(k2, (N, NUM_BINS), dtype=jnp.float32),
        "box3d_rotation_regression": jax.random.normal(k3, (N, 2 * NUM_BINS), dtype=jnp.float32),
        "box3d_localization_center": jax.random.normal(k4, (N, 3 * NUM_FG), dtype=jnp.float32),
        "labels": jax.random.randint(k5, (N,), 1, NUM_FG + 1, dtype=jnp.int64),
    }

def reference(box3d_dim_regression, box3d_rotation_logits, box3d_rotation_regression, box3d_localization_center, labels):
    dim_weights = jnp.array([5.0, 5.0, 5.0], dtype=jnp.float32)
    center_weights = jnp.array([10.0, 10.0, 10.0], dtype=jnp.float32)
    mean_dims = jnp.array([[3.88, 1.63, 1.53], [0.84, 0.60, 1.76], [1.76, 0.60, 1.73]], dtype=jnp.float32)
    bin_centers = jnp.array([-0.5 * np.pi, 0.5 * np.pi], dtype=jnp.float32)
    n = box3d_dim_regression.shape[0]
    labels_index = jnp.clip(labels - 1, 0, NUM_FG - 1)
    offs = jnp.arange(3)
    # per-class gather of dim regression: map_inds = 3*labels_index[:,None] + [0,1,2]
    map_inds3 = 3 * labels_index[:, None] + offs[None, :]
    dims_reg = jnp.take_along_axis(box3d_dim_regression, map_inds3, axis=1)
    # Box3dCoder.decode: exp(reg / w) * per-class mean dims
    pred_dims = jnp.exp(dims_reg / dim_weights[None, :]) * mean_dims[labels_index]
    # orientation decode: argmax bin + (sin,cos) regression -> local alpha + bin center
    bins = jnp.argmax(box3d_rotation_logits, axis=1)
    rot = box3d_rotation_regression.reshape(n, NUM_BINS, 2)
    sc = rot[jnp.arange(n), bins]
    alpha = jnp.arctan2(sc[:, 0], sc[:, 1]) + bin_centers[bins]
    # per-class gather of center regression: map_inds = 2*labels_index[:,None] + [0,1,2]
    map_inds2 = 2 * labels_index[:, None] + offs[None, :]
    center_raw = jnp.take_along_axis(box3d_localization_center, map_inds2, axis=1)
    # Box3dCoder.center_decode: divide by weights; depth offset keeps denominator positive
    xyz = center_raw / center_weights[None, :] + jnp.array([0.0, 30.0, 0.0], dtype=jnp.float32)
    # global yaw: ry = alpha + atan(x / y) as in original forward
    ry = alpha + jnp.arctan(xyz[:, 0] / xyz[:, 1])
    pred_box_3d = jnp.concatenate([ry[:, None], pred_dims, xyz, alpha[:, None]], axis=1)
    return pred_box_3d

if __name__ == "__main__":
    import jax
    _d = setup_inputs()
    print(jax.jit(kernel)(*tuple(_d.values())))

</pallas_src>

<mosaic_0001>
#map = affine_map<(d0, d1) -> (0)>
#map1 = affine_map<(d0, d1) -> (0, 0)>
module attributes {stable_mosaic.version = 14 : i64} {
  func.func @_sc_decode(%arg0: i32, %arg1: i32, %arg2: memref<120000xf32, #tpu.memory_space<hbm>>, %arg3: memref<5000xi32, #tpu.memory_space<hbm>>, %arg4: memref<5000x8xf32, #tpu.memory_space<hbm>>, %arg5: memref<3840xf32, #tpu.memory_space<vmem>>, %arg6: memref<160xi32, #tpu.memory_space<vmem>>, %arg7: memref<160x8xf32, #tpu.memory_space<vmem>>, %arg8: memref<!tpu.dma_semaphore, #tpu.memory_space<semaphore_mem>>) attributes {dimension_semantics = [#tpu.dimension_semantics<core_parallel>, #tpu.dimension_semantics<subcore_parallel>], iteration_bounds = array<i64: 2, 16>, scalar_prefetch = 0 : i64, scratch_operands = 4 : i64, tpu.core_type = #tpu.core_type<sc_vector_subcore>, window_params = [{transform_indices = #map}, {transform_indices = #map}, {transform_indices = #map1}]} {
    %mul3A = arith.constant 2 : i32
    %mul3A_0 = arith.muli %arg1, %mul3A : i32
    %add3A = arith.addi %mul3A_0, %arg0 : i32
    %mul3A_1 = arith.constant 160 : i32
    %mul3A_2 = arith.muli %add3A, %mul3A_1 : i32
    %min3A = arith.constant 4840 : i32
    %min3A_3 = arith.minsi %mul3A_2, %min3A : i32
    %mul3A_4 = arith.constant 24 : i32
    %mul3A_5 = arith.muli %min3A_3, %mul3A_4 : i32
    %dma_start3A = tpu.memref_slice %arg2[%mul3A_5] : memref<120000xf32, #tpu.memory_space<hbm>> -> memref<3840xf32, #tpu.memory_space<hbm>>
    %dma_start3A_6 = tpu.memref_slice %arg2[%mul3A_5] : memref<120000xf32, #tpu.memory_space<hbm>> -> memref<3840xf32, #tpu.memory_space<hbm>>
    tpu.enqueue_dma source(%dma_start3A_6 : memref<3840xf32, #tpu.memory_space<hbm>>) target(%arg5 : memref<3840xf32, #tpu.memory_space<vmem>>) target_semaphore(%arg8 : memref<!tpu.dma_semaphore, #tpu.memory_space<semaphore_mem>>)
    %dma_start3A_7 = tpu.memref_slice %arg3[%min3A_3] : memref<5000xi32, #tpu.memory_space<hbm>> -> memref<160xi32, #tpu.memory_space<hbm>>
    %dma_start3A_8 = tpu.memref_slice %arg3[%min3A_3] : memref<5000xi32, #tpu.memory_space<hbm>> -> memref<160xi32, #tpu.memory_space<hbm>>
    tpu.enqueue_dma source(%dma_start3A_8 : memref<160xi32, #tpu.memory_space<hbm>>) target(%arg6 : memref<160xi32, #tpu.memory_space<vmem>>) target_semaphore(%arg8 : memref<!tpu.dma_semaphore, #tpu.memory_space<semaphore_mem>>)
    %dma_wait3A = tpu.memref_slice %arg2[%mul3A_5] : memref<120000xf32, #tpu.memory_space<hbm>> -> memref<3840xf32, #tpu.memory_space<hbm>>
    %dma_wait3A_9 = tpu.memref_slice %arg2[%mul3A_5] : memref<120000xf32, #tpu.memory_space<hbm>> -> memref<3840xf32, #tpu.memory_space<hbm>>
    tpu.wait_dma2 semaphore(%arg8 : memref<!tpu.dma_semaphore, #tpu.memory_space<semaphore_mem>>) src(%dma_wait3A_9 : memref<3840xf32, #tpu.memory_space<hbm>>) dst(%arg5 : memref<3840xf32, #tpu.memory_space<vmem>>)
    %dma_wait3A_10 = tpu.memref_slice %arg3[%min3A_3] : memref<5000xi32, #tpu.memory_space<hbm>> -> memref<160xi32, #tpu.memory_space<hbm>>
    %dma_wait3A_11 = tpu.memref_slice %arg3[%min3A_3] : memref<5000xi32, #tpu.memory_space<hbm>> -> memref<160xi32, #tpu.memory_space<hbm>>
    tpu.wait_dma2 semaphore(%arg8 : memref<!tpu.dma_semaphore, #tpu.memory_space<semaphore_mem>>) src(%dma_wait3A_11 : memref<160xi32, #tpu.memory_space<hbm>>) dst(%arg6 : memref<160xi32, #tpu.memory_space<vmem>>)
    %iota3A = tpu.iota {dimensions = array<i32: 0>} : vector<16xi32>
    %broadcast_in_dim3A = arith.constant 0 : i32
    %broadcast_in_dim3A_12 = vector.broadcast %broadcast_in_dim3A : i32 to vector<16xi32>
    %scan3A = arith.constant 0 : i32
    %scan3A_13 = arith.constant 0 : i32
    %scan3A_14 = arith.constant 10 : i32
    %scan3A_15 = arith.addi %scan3A_13, %scan3A_14 : i32
    %scan3A_16 = arith.constant 2 : i32
    %scan3A_17 = scf.for %scan3A_19 = %scan3A_13 to %scan3A_15 step %scan3A_16 iter_args(%scan3A_20 = %scan3A) -> (i32)  : i32 {
      %mul3A_21 = arith.constant 16 : i32
      %mul3A_22 = arith.muli %scan3A_19, %mul3A_21 : i32
      %add3A_23 = vector.broadcast %mul3A_22 : i32 to vector<16xi32>
      %add3A_24 = arith.addi %iota3A, %add3A_23 : vector<16xi32>
      %mul3A_25 = arith.constant 24 : i32
      %mul3A_26 = vector.broadcast %mul3A_25 : i32 to vector<16xi32>
      %mul3A_27 = arith.muli %add3A_24, %mul3A_26 : vector<16xi32>
      %mul3A_28 = arith.constant 16 : i32
      %mul3A_29 = arith.muli %scan3A_19, %mul3A_28 : i32
      %get3A = arith.index_cast %mul3A_29 : i32 to index
      %get3A_30 = tpu.vector_load %arg6[%get3A] {strides = array<i32>} : memref<160xi32, #tpu.memory_space<vmem>>, vector<16xi32>,
      %sub3A = arith.constant 1 : i32
      %sub3A_31 = vector.broadcast %sub3A : i32 to vector<16xi32>
      %sub3A_32 = arith.subi %get3A_30, %sub3A_31 : vector<16xi32>
      %jit3A = arith.constant 0 : i32
      %jit3A_33 = arith.constant 2 : i32
      %max3A = vector.broadcast %jit3A : i32 to vector<16xi32>
      %max3A_34 = arith.maxsi %max3A, %sub3A_32 : vector<16xi32>
      %min3A_35 = vector.broadcast %jit3A_33 : i32 to vector<16xi32>
      %min3A_36 = arith.minsi %min3A_35, %max3A_34 : vector<16xi32>
      %mul3A_37 = arith.constant 3 : i32
      %mul3A_38 = vector.broadcast %mul3A_37 : i32 to vector<16xi32>
      %mul3A_39 = arith.muli %min3A_36, %mul3A_38 : vector<16xi32>
      %add3A_40 = arith.addi %mul3A_27, %mul3A_39 : vector<16xi32>
      %gather3A = tpu.vector_load_idx %arg5[%add3A_40] : memref<3840xf32, #tpu.memory_space<vmem>>[vector<16xi32>], vector<16xf32>,
      %add3A_41 = arith.constant 1 : i32
      %add3A_42 = vector.broadcast %add3A_41 : i32 to vector<16xi32>
      %add3A_43 = arith.addi %add3A_40, %add3A_42 : vector<16xi32>
      %gather3A_44 = tpu.vector_load_idx %arg5[%add3A_43] : memref<3840xf32, #tpu.memory_space<vmem>>[vector<16xi32>], vector<16xf32>,
      %add3A_45 = arith.constant 2 : i32
      %add3A_46 = vector.broadcast %add3A_45 : i32 to vector<16xi32>
      %add3A_47 = arith.addi %add3A_40, %add3A_46 : vector<16xi32>
      %gather3A_48 = tpu.vector_load_idx %arg5[%add3A_47] : memref<3840xf32, #tpu.memory_space<vmem>>[vector<16xi32>], vector<16xf32>,
      %eq3A = arith.constant 0 : i32
      %eq3A_49 = vector.broadcast %eq3A : i32 to vector<16xi32>
      %eq3A_50 = arith.cmpi eq, %min3A_36, %eq3A_49 : vector<16xi32>
      %eq3A_51 = arith.constant 1 : i32
      %eq3A_52 = vector.broadcast %eq3A_51 : i32 to vector<16xi32>
      %eq3A_53 = arith.cmpi eq, %min3A_36, %eq3A_52 : vector<16xi32>
      %jit3A_54 = arith.constant 0.839999973 : f32
      %jit3A_55 = arith.constant 1.760000e+00 : f32
      %broadcast_in_dim3A_56 = vector.broadcast %jit3A_54 : f32 to vector<16xf32>
      %broadcast_in_dim3A_57 = vector.broadcast %jit3A_55 : f32 to vector<16xf32>
      %select_n3A = arith.select %eq3A_53, %broadcast_in_dim3A_56, %broadcast_in_dim3A_57 : vector<16xi1>, vector<16xf32>
      %jit3A_58 = arith.constant 3.880000e+00 : f32
      %broadcast_in_dim3A_59 = vector.broadcast %jit3A_58 : f32 to vector<16xf32>
      %select_n3A_60 = arith.select %eq3A_50, %broadcast_in_dim3A_59, %select_n3A : vector<16xi1>, vector<16xf32>
      %jit3A_61 = arith.constant 6.000000e-01 : f32
      %jit3A_62 = arith.constant 6.000000e-01 : f32
      %broadcast_in_dim3A_63 = vector.broadcast %jit3A_61 : f32 to vector<16xf32>
      %broadcast_in_dim3A_64 = vector.broadcast %jit3A_62 : f32 to vector<16xf32>
      %select_n3A_65 = arith.select %eq3A_53, %broadcast_in_dim3A_63, %broadcast_in_dim3A_64 : vector<16xi1>, vector<16xf32>
      %jit3A_66 = arith.constant 1.630000e+00 : f32
      %broadcast_in_dim3A_67 = vector.broadcast %jit3A_66 : f32 to vector<16xf32>
      %select_n3A_68 = arith.select %eq3A_50, %broadcast_in_dim3A_67, %select_n3A_65 : vector<16xi1>, vector<16xf32>
      %jit3A_69 = arith.constant 1.760000e+00 : f32
      %jit3A_70 = arith.constant 1.730000e+00 : f32
      %broadcast_in_dim3A_71 = vector.broadcast %jit3A_69 : f32 to vector<16xf32>
      %broadcast_in_dim3A_72 = vector.broadcast %jit3A_70 : f32 to vector<16xf32>
      %select_n3A_73 = arith.select %eq3A_53, %broadcast_in_dim3A_71, %broadcast_in_dim3A_72 : vector<16xi1>, vector<16xf32>
      %jit3A_74 = arith.constant 1.530000e+00 : f32
      %broadcast_in_dim3A_75 = vector.broadcast %jit3A_74 : f32 to vector<16xf32>
      %select_n3A_76 = arith.select %eq3A_50, %broadcast_in_dim3A_75, %select_n3A_73 : vector<16xi1>, vector<16xf32>
      %div3A = arith.constant 5.000000e+00 : f32
      %div3A_77 = vector.broadcast %div3A : f32 to vector<16xf32>
      %div3A_78 = arith.divf %gather3A, %div3A_77 : vector<16xf32>
      %exp3A = math.exp %div3A_78 : vector<16xf32>
      %mul3A_79 = arith.mulf %exp3A, %select_n3A_60 : vector<16xf32>
      %div3A_80 = arith.constant 5.000000e+00 : f32
      %div3A_81 = vector.broadcast %div3A_80 : f32 to vector<16xf32>
      %div3A_82 = arith.divf %gather3A_44, %div3A_81 : vector<16xf32>
      %exp3A_83 = math.exp %div3A_82 : vector<16xf32>
      %mul3A_84 = arith.mulf %exp3A_83, %select_n3A_68 : vector<16xf32>
      %div3A_85 = arith.constant 5.000000e+00 : f32
      %div3A_86 = vector.broadcast %div3A_85 : f32 to vector<16xf32>
      %div3A_87 = arith.divf %gather3A_48, %div3A_86 : vector<16xf32>
      %exp3A_88 = math.exp %div3A_87 : vector<16xf32>
      %mul3A_89 = arith.mulf %exp3A_88, %select_n3A_76 : vector<16xf32>
      %add3A_90 = arith.constant 9 : i32
      %add3A_91 = vector.broadcast %add3A_90 : i32 to vector<16xi32>
      %add3A_92 = arith.addi %mul3A_27, %add3A_91 : vector<16xi32>
      %gather3A_93 = tpu.vector_load_idx %arg5[%add3A_92] : memref<3840xf32, #tpu.memory_space<vmem>>[vector<16xi32>], vector<16xf32>,
      %add3A_94 = arith.constant 10 : i32
      %add3A_95 = vector.broadcast %add3A_94 : i32 to vector<16xi32>
      %add3A_96 = arith.addi %mul3A_27, %add3A_95 : vector<16xi32>
      %gather3A_97 = tpu.vector_load_idx %arg5[%add3A_96] : memref<3840xf32, #tpu.memory_space<vmem>>[vector<16xi32>], vector<16xf32>,
      %gt3A = arith.cmpf ogt, %gather3A_97, %gather3A_93 : vector<16xf32>
      %jit3A_98 = arith.constant 13 : i32
      %jit3A_99 = arith.constant 11 : i32
      %broadcast_in_dim3A_100 = vector.broadcast %jit3A_98 : i32 to vector<16xi32>
      %broadcast_in_dim3A_101 = vector.broadcast %jit3A_99 : i32 to vector<16xi32>
      %select_n3A_102 = arith.select %gt3A, %broadcast_in_dim3A_100, %broadcast_in_dim3A_101 : vector<16xi1>, vector<16xi32>
      %add3A_103 = arith.addi %mul3A_27, %select_n3A_102 : vector<16xi32>
      %gather3A_104 = tpu.vector_load_idx %arg5[%add3A_103] : memref<3840xf32, #tpu.memory_space<vmem>>[vector<16xi32>], vector<16xf32>,
      %add3A_105 = arith.constant 1 : i32
      %add3A_106 = vector.broadcast %add3A_105 : i32 to vector<16xi32>
      %add3A_107 = arith.addi %add3A_103, %add3A_106 : vector<16xi32>
      %gather3A_108 = tpu.vector_load_idx %arg5[%add3A_107] : memref<3840xf32, #tpu.memory_space<vmem>>[vector<16xi32>], vector<16xf32>,
      %abs3A = math.absf %gather3A_108 : vector<16xf32>
      %abs3A_109 = math.absf %gather3A_104 : vector<16xf32>
      %max3A_110 = arith.maximumf %abs3A, %abs3A_109 : vector<16xf32>
      %min3A_111 = arith.minimumf %abs3A, %abs3A_109 : vector<16xf32>
      %eq3A_112 = arith.constant 0.000000e+00 : f32
      %eq3A_113 = vector.broadcast %eq3A_112 : f32 to vector<16xf32>
      %eq3A_114 = arith.cmpf oeq, %max3A_110, %eq3A_113 : vector<16xf32>
      %jit3A_115 = arith.constant 1.000000e+00 : f32
      %broadcast_in_dim3A_116 = vector.broadcast %jit3A_115 : f32 to vector<16xf32>
      %select_n3A_117 = arith.select %eq3A_114, %broadcast_in_dim3A_116, %max3A_110 : vector<16xi1>, vector<16xf32>
      %div3A_118 = arith.divf %min3A_111, %select_n3A_117 : vector<16xf32>
      %mul3A_119 = arith.mulf %div3A_118, %div3A_118 : vector<16xf32>
      %mul3A_120 = arith.constant -1.172120e-02 : f32
      %mul3A_121 = vector.broadcast %mul3A_120 : f32 to vector<16xf32>
      %mul3A_122 = arith.mulf %mul3A_121, %mul3A_119 : vector<16xf32>
      %add3A_123 = arith.constant 0.0526533201 : f32
      %add3A_124 = vector.broadcast %add3A_123 : f32 to vector<16xf32>
      %add3A_125 = arith.addf %mul3A_122, %add3A_124 : vector<16xf32>
      %mul3A_126 = arith.mulf %add3A_125, %mul3A_119 : vector<16xf32>
      %add3A_127 = arith.constant -0.116432868 : f32
      %add3A_128 = vector.broadcast %add3A_127 : f32 to vector<16xf32>
      %add3A_129 = arith.addf %mul3A_126, %add3A_128 : vector<16xf32>
      %mul3A_130 = arith.mulf %add3A_129, %mul3A_119 : vector<16xf32>
      %add3A_131 = arith.constant 0.193543464 : f32
      %add3A_132 = vector.broadcast %add3A_131 : f32 to vector<16xf32>
      %add3A_133 = arith.addf %mul3A_130, %add3A_132 : vector<16xf32>
      %mul3A_134 = arith.mulf %add3A_133, %mul3A_119 : vector<16xf32>
      %add3A_135 = arith.constant -0.332623482 : f32
      %add3A_136 = vector.broadcast %add3A_135 : f32 to vector<16xf32>
      %add3A_137 = arith.addf %mul3A_134, %add3A_136 : vector<16xf32>
      %mul3A_138 = arith.mulf %add3A_137, %mul3A_119 : vector<16xf32>
      %add3A_139 = arith.constant 0.999977231 : f32
      %add3A_140 = vector.broadcast %add3A_139 : f32 to vector<16xf32>
      %add3A_141 = arith.addf %mul3A_138, %add3A_140 : vector<16xf32>
      %mul3A_142 = arith.mulf %div3A_118, %add3A_141 : vector<16xf32>
      %gt3A_143 = arith.cmpf ogt, %abs3A_109, %abs3A : vector<16xf32>
      %sub3A_144 = arith.constant 1.57079637 : f32
      %sub3A_145 = vector.broadcast %sub3A_144 : f32 to vector<16xf32>
      %sub3A_146 = arith.subf %sub3A_145, %mul3A_142 : vector<16xf32>
      %select_n3A_147 = arith.select %gt3A_143, %sub3A_146, %mul3A_142 : vector<16xi1>, vector<16xf32>
      %lt3A = arith.constant 0.000000e+00 : f32
      %lt3A_148 = vector.broadcast %lt3A : f32 to vector<16xf32>
      %lt3A_149 = arith.cmpf olt, %gather3A_108, %lt3A_148 : vector<16xf32>
      %sub3A_150 = arith.constant 3.14159274 : f32
      %sub3A_151 = vector.broadcast %sub3A_150 : f32 to vector<16xf32>
      %sub3A_152 = arith.subf %sub3A_151, %select_n3A_147 : vector<16xf32>
      %select_n3A_153 = arith.select %lt3A_149, %sub3A_152, %select_n3A_147 : vector<16xi1>, vector<16xf32>
      %lt3A_154 = arith.constant 0.000000e+00 : f32
      %lt3A_155 = vector.broadcast %lt3A_154 : f32 to vector<16xf32>
      %lt3A_156 = arith.cmpf olt, %gather3A_104, %lt3A_155 : vector<16xf32>
      %neg3A = arith.constant 0.000000e+00 : f32
      %neg3A_157 = vector.broadcast %neg3A : f32 to vector<16xf32>
      %neg3A_158 = arith.subf %neg3A_157, %select_n3A_153 : vector<16xf32>
      %select_n3A_159 = arith.select %lt3A_156, %neg3A_158, %select_n3A_153 : vector<16xi1>, vector<16xf32>
      %jit3A_160 = arith.constant 1.57079637 : f32
      %jit3A_161 = arith.constant -1.57079637 : f32
      %broadcast_in_dim3A_162 = vector.broadcast %jit3A_160 : f32 to vector<16xf32>
      %broadcast_in_dim3A_163 = vector.broadcast %jit3A_161 : f32 to vector<16xf32>
      %select_n3A_164 = arith.select %gt3A, %broadcast_in_dim3A_162, %broadcast_in_dim3A_163 : vector<16xi1>, vector<16xf32>
      %add3A_165 = arith.addf %select_n3A_159, %select_n3A_164 : vector<16xf32>
      %mul3A_166 = arith.constant 2 : i32
      %mul3A_167 = vector.broadcast %mul3A_166 : i32 to vector<16xi32>
      %mul3A_168 = arith.muli %min3A_36, %mul3A_167 : vector<16xi32>
      %add3A_169 = arith.addi %mul3A_27, %mul3A_168 : vector<16xi32>
      %add3A_170 = arith.constant 15 : i32
      %add3A_171 = vector.broadcast %add3A_170 : i32 to vector<16xi32>
      %add3A_172 = arith.addi %add3A_169, %add3A_171 : vector<16xi32>
      %gather3A_173 = tpu.vector_load_idx %arg5[%add3A_172] : memref<3840xf32, #tpu.memory_space<vmem>>[vector<16xi32>], vector<16xf32>,
      %div3A_174 = arith.constant 1.000000e+01 : f32
      %div3A_175 = vector.broadcast %div3A_174 : f32 to vector<16xf32>
      %div3A_176 = arith.divf %gather3A_173, %div3A_175 : vector<16xf32>
      %add3A_177 = arith.constant 1 : i32
      %add3A_178 = vector.broadcast %add3A_177 : i32 to vector<16xi32>
      %add3A_179 = arith.addi %add3A_172, %add3A_178 : vector<16xi32>
      %gather3A_180 = tpu.vector_load_idx %arg5[%add3A_179] : memref<3840xf32, #tpu.memory_space<vmem>>[vector<16xi32>], vector<16xf32>,
      %div3A_181 = arith.constant 1.000000e+01 : f32
      %div3A_182 = vector.broadcast %div3A_181 : f32 to vector<16xf32>
      %div3A_183 = arith.divf %gather3A_180, %div3A_182 : vector<16xf32>
      %add3A_184 = arith.constant 3.000000e+01 : f32
      %add3A_185 = vector.broadcast %add3A_184 : f32 to vector<16xf32>
      %add3A_186 = arith.addf %div3A_183, %add3A_185 : vector<16xf32>
      %add3A_187 = arith.constant 2 : i32
      %add3A_188 = vector.broadcast %add3A_187 : i32 to vector<16xi32>
      %add3A_189 = arith.addi %add3A_172, %add3A_188 : vector<16xi32>
      %gather3A_190 = tpu.vector_load_idx %arg5[%add3A_189] : memref<3840xf32, #tpu.memory_space<vmem>>[vector<16xi32>], vector<16xf32>,
      %div3A_191 = arith.constant 1.000000e+01 : f32
      %div3A_192 = vector.broadcast %div3A_191 : f32 to vector<16xf32>
      %div3A_193 = arith.divf %gather3A_190, %div3A_192 : vector<16xf32>
      %div3A_194 = arith.divf %div3A_176, %add3A_186 : vector<16xf32>
      %abs3A_195 = math.absf %div3A_194 : vector<16xf32>
      %gt3A_196 = arith.constant 1.000000e+00 : f32
      %gt3A_197 = vector.broadcast %gt3A_196 : f32 to vector<16xf32>
      %gt3A_198 = arith.cmpf ogt, %abs3A_195, %gt3A_197 : vector<16xf32>
      %eq3A_199 = arith.constant 0.000000e+00 : f32
      %eq3A_200 = vector.broadcast %eq3A_199 : f32 to vector<16xf32>
      %eq3A_201 = arith.cmpf oeq, %abs3A_195, %eq3A_200 : vector<16xf32>
      %jit3A_202 = arith.constant 1.000000e+00 : f32
      %broadcast_in_dim3A_203 = vector.broadcast %jit3A_202 : f32 to vector<16xf32>
      %select_n3A_204 = arith.select %eq3A_201, %broadcast_in_dim3A_203, %abs3A_195 : vector<16xi1>, vector<16xf32>
      %div3A_205 = arith.constant 1.000000e+00 : f32
      %div3A_206 = vector.broadcast %div3A_205 : f32 to vector<16xf32>
      %div3A_207 = arith.divf %div3A_206, %select_n3A_204 : vector<16xf32>
      %select_n3A_208 = arith.select %gt3A_198, %div3A_207, %abs3A_195 : vector<16xi1>, vector<16xf32>
      %mul3A_209 = arith.mulf %select_n3A_208, %select_n3A_208 : vector<16xf32>
      %mul3A_210 = arith.constant -1.172120e-02 : f32
      %mul3A_211 = vector.broadcast %mul3A_210 : f32 to vector<16xf32>
      %mul3A_212 = arith.mulf %mul3A_211, %mul3A_209 : vector<16xf32>
      %add3A_213 = arith.constant 0.0526533201 : f32
      %add3A_214 = vector.broadcast %add3A_213 : f32 to vector<16xf32>
      %add3A_215 = arith.addf %mul3A_212, %add3A_214 : vector<16xf32>
      %mul3A_216 = arith.mulf %add3A_215, %mul3A_209 : vector<16xf32>
      %add3A_217 = arith.constant -0.116432868 : f32
      %add3A_218 = vector.broadcast %add3A_217 : f32 to vector<16xf32>
      %add3A_219 = arith.addf %mul3A_216, %add3A_218 : vector<16xf32>
      %mul3A_220 = arith.mulf %add3A_219, %mul3A_209 : vector<16xf32>
      %add3A_221 = arith.constant 0.193543464 : f32
      %add3A_222 = vector.broadcast %add3A_221 : f32 to vector<16xf32>
      %add3A_223 = arith.addf %mul3A_220, %add3A_222 : vector<16xf32>
      %mul3A_224 = arith.mulf %add3A_223, %mul3A_209 : vector<16xf32>
      %add3A_225 = arith.constant -0.332623482 : f32
      %add3A_226 = vector.broadcast %add3A_225 : f32 to vector<16xf32>
      %add3A_227 = arith.addf %mul3A_224, %add3A_226 : vector<16xf32>
      %mul3A_228 = arith.mulf %add3A_227, %mul3A_209 : vector<16xf32>
      %add3A_229 = arith.constant 0.999977231 : f32
      %add3A_230 = vector.broadcast %add3A_229 : f32 to vector<16xf32>
      %add3A_231 = arith.addf %mul3A_228, %add3A_230 : vector<16xf32>
      %mul3A_232 = arith.mulf %select_n3A_208, %add3A_231 : vector<16xf32>
      %sub3A_233 = arith.constant 1.57079637 : f32
      %sub3A_234 = vector.broadcast %sub3A_233 : f32 to vector<16xf32>
      %sub3A_235 = arith.subf %sub3A_234, %mul3A_232 : vector<16xf32>
      %select_n3A_236 = arith.select %gt3A_198, %sub3A_235, %mul3A_232 : vector<16xi1>, vector<16xf32>
      %lt3A_237 = arith.constant 0.000000e+00 : f32
      %lt3A_238 = vector.broadcast %lt3A_237 : f32 to vector<16xf32>
      %lt3A_239 = arith.cmpf olt, %div3A_194, %lt3A_238 : vector<16xf32>
      %neg3A_240 = arith.constant 0.000000e+00 : f32
      %neg3A_241 = vector.broadcast %neg3A_240 : f32 to vector<16xf32>
      %neg3A_242 = arith.subf %neg3A_241, %select_n3A_236 : vector<16xf32>
      %select_n3A_243 = arith.select %lt3A_239, %neg3A_242, %select_n3A_236 : vector<16xi1>, vector<16xf32>
      %add3A_244 = arith.addf %add3A_165, %select_n3A_243 : vector<16xf32>
      %add3A_245 = arith.constant 0 : i32
      %add3A_246 = vector.broadcast %add3A_245 : i32 to vector<16xi32>
      %add3A_247 = arith.addi %broadcast_in_dim3A_12, %add3A_246 : vector<16xi32>
      tpu.vector_store_idx %arg7[%add3A_24, %add3A_247], %add3A_244 : memref<160x8xf32, #tpu.memory_space<vmem>>[vector<16xi32>, vector<16xi32>], vector<16xf32>,
      %add3A_248 = arith.constant 1 : i32
      %add3A_249 = vector.broadcast %add3A_248 : i32 to vector<16xi32>
      %add3A_250 = arith.addi %broadcast_in_dim3A_12, %add3A_249 : vector<16xi32>
      tpu.vector_store_idx %arg7[%add3A_24, %add3A_250], %mul3A_79 : memref<160x8xf32, #tpu.memory_space<vmem>>[vector<16xi32>, vector<16xi32>], vector<16xf32>,
      %add3A_251 = arith.constant 2 : i32
      %add3A_252 = vector.broadcast %add3A_251 : i32 to vector<16xi32>
      %add3A_253 = arith.addi %broadcast_in_dim3A_12, %add3A_252 : vector<16xi32>
      tpu.vector_store_idx %arg7[%add3A_24, %add3A_253], %mul3A_84 : memref<160x8xf32, #tpu.memory_space<vmem>>[vector<16xi32>, vector<16xi32>], vector<16xf32>,
      %add3A_254 = arith.constant 3 : i32
      %add3A_255 = vector.broadcast %add3A_254 : i32 to vector<16xi32>
      %add3A_256 = arith.addi %broadcast_in_dim3A_12, %add3A_255 : vector<16xi32>
      tpu.vector_store_idx %arg7[%add3A_24, %add3A_256], %mul3A_89 : memref<160x8xf32, #tpu.memory_space<vmem>>[vector<16xi32>, vector<16xi32>], vector<16xf32>,
      %add3A_257 = arith.constant 4 : i32
      %add3A_258 = vector.broadcast %add3A_257 : i32 to vector<16xi32>
      %add3A_259 = arith.addi %broadcast_in_dim3A_12, %add3A_258 : vector<16xi32>
      tpu.vector_store_idx %arg7[%add3A_24, %add3A_259], %div3A_176 : memref<160x8xf32, #tpu.memory_space<vmem>>[vector<16xi32>, vector<16xi32>], vector<16xf32>,
      %add3A_260 = arith.constant 5 : i32
      %add3A_261 = vector.broadcast %add3A_260 : i32 to vector<16xi32>
      %add3A_262 = arith.addi %broadcast_in_dim3A_12, %add3A_261 : vector<16xi32>
      tpu.vector_store_idx %arg7[%add3A_24, %add3A_262], %add3A_186 : memref<160x8xf32, #tpu.memory_space<vmem>>[vector<16xi32>, vector<16xi32>], vector<16xf32>,
      %add3A_263 = arith.constant 6 : i32
      %add3A_264 = vector.broadcast %add3A_263 : i32 to vector<16xi32>
      %add3A_265 = arith.addi %broadcast_in_dim3A_12, %add3A_264 : vector<16xi32>
      tpu.vector_store_idx %arg7[%add3A_24, %add3A_265], %div3A_193 : memref<160x8xf32, #tpu.memory_space<vmem>>[vector<16xi32>, vector<16xi32>], vector<16xf32>,
      %add3A_266 = arith.constant 7 : i32
      %add3A_267 = vector.broadcast %add3A_266 : i32 to vector<16xi32>
      %add3A_268 = arith.addi %broadcast_in_dim3A_12, %add3A_267 : vector<16xi32>
      tpu.vector_store_idx %arg7[%add3A_24, %add3A_268], %add3A_165 : memref<160x8xf32, #tpu.memory_space<vmem>>[vector<16xi32>, vector<16xi32>], vector<16xf32>,
      %scan3A_269 = arith.constant 0 : i32
      %scan3A_270 = arith.constant 1 : i32
      %scan3A_271 = arith.addi %scan3A_19, %scan3A_270 : i32
      %mul3A_272 = arith.constant 16 : i32
      %mul3A_273 = arith.muli %scan3A_271, %mul3A_272 : i32
      %add3A_274 = vector.broadcast %mul3A_273 : i32 to vector<16xi32>
      %add3A_275 = arith.addi %iota3A, %add3A_274 : vector<16xi32>
      %mul3A_276 = arith.constant 24 : i32
      %mul3A_277 = vector.broadcast %mul3A_276 : i32 to vector<16xi32>
      %mul3A_278 = arith.muli %add3A_275, %mul3A_277 : vector<16xi32>
      %mul3A_279 = arith.constant 16 : i32
      %mul3A_280 = arith.muli %scan3A_271, %mul3A_279 : i32
      %get3A_281 = arith.index_cast %mul3A_280 : i32 to index
      %get3A_282 = tpu.vector_load %arg6[%get3A_281] {strides = array<i32>} : memref<160xi32, #tpu.memory_space<vmem>>, vector<16xi32>,
      %sub3A_283 = arith.constant 1 : i32
      %sub3A_284 = vector.broadcast %sub3A_283 : i32 to vector<16xi32>
      %sub3A_285 = arith.subi %get3A_282, %sub3A_284 : vector<16xi32>
      %jit3A_286 = arith.constant 0 : i32
      %jit3A_287 = arith.constant 2 : i32
      %max3A_288 = vector.broadcast %jit3A_286 : i32 to vector<16xi32>
      %max3A_289 = arith.maxsi %max3A_288, %sub3A_285 : vector<16xi32>
      %min3A_290 = vector.broadcast %jit3A_287 : i32 to vector<16xi32>
      %min3A_291 = arith.minsi %min3A_290, %max3A_289 : vector<16xi32>
      %mul3A_292 = arith.constant 3 : i32
      %mul3A_293 = vector.broadcast %mul3A_292 : i32 to vector<16xi32>
      %mul3A_294 = arith.muli %min3A_291, %mul3A_293 : vector<16xi32>
      %add3A_295 = arith.addi %mul3A_278, %mul3A_294 : vector<16xi32>
      %gather3A_296 = tpu.vector_load_idx %arg5[%add3A_295] : memref<3840xf32, #tpu.memory_space<vmem>>[vector<16xi32>], vector<16xf32>,
      %add3A_297 = arith.constant 1 : i32
      %add3A_298 = vector.broadcast %add3A_297 : i32 to vector<16xi32>
      %add3A_299 = arith.addi %add3A_295, %add3A_298 : vector<16xi32>
      %gather3A_300 = tpu.vector_load_idx %arg5[%add3A_299] : memref<3840xf32, #tpu.memory_space<vmem>>[vector<16xi32>], vector<16xf32>,
      %add3A_301 = arith.constant 2 : i32
      %add3A_302 = vector.broadcast %add3A_301 : i32 to vector<16xi32>
      %add3A_303 = arith.addi %add3A_295, %add3A_302 : vector<16xi32>
      %gather3A_304 = tpu.vector_load_idx %arg5[%add3A_303] : memref<3840xf32, #tpu.memory_space<vmem>>[vector<16xi32>], vector<16xf32>,
      %eq3A_305 = arith.constant 0 : i32
      %eq3A_306 = vector.broadcast %eq3A_305 : i32 to vector<16xi32>
      %eq3A_307 = arith.cmpi eq, %min3A_291, %eq3A_306 : vector<16xi32>
      %eq3A_308 = arith.constant 1 : i32
      %eq3A_309 = vector.broadcast %eq3A_308 : i32 to vector<16xi32>
      %eq3A_310 = arith.cmpi eq, %min3A_291, %eq3A_309 : vector<16xi32>
      %jit3A_311 = arith.constant 0.839999973 : f32
      %jit3A_312 = arith.constant 1.760000e+00 : f32
      %broadcast_in_dim3A_313 = vector.broadcast %jit3A_311 : f32 to vector<16xf32>
      %broadcast_in_dim3A_314 = vector.broadcast %jit3A_312 : f32 to vector<16xf32>
      %select_n3A_315 = arith.select %eq3A_310, %broadcast_in_dim3A_313, %broadcast_in_dim3A_314 : vector<16xi1>, vector<16xf32>
      %jit3A_316 = arith.constant 3.880000e+00 : f32
      %broadcast_in_dim3A_317 = vector.broadcast %jit3A_316 : f32 to vector<16xf32>
      %select_n3A_318 = arith.select %eq3A_307, %broadcast_in_dim3A_317, %select_n3A_315 : vector<16xi1>, vector<16xf32>
      %jit3A_319 = arith.constant 6.000000e-01 : f32
      %jit3A_320 = arith.constant 6.000000e-01 : f32
      %broadcast_in_dim3A_321 = vector.broadcast %jit3A_319 : f32 to vector<16xf32>
      %broadcast_in_dim3A_322 = vector.broadcast %jit3A_320 : f32 to vector<16xf32>
      %select_n3A_323 = arith.select %eq3A_310, %broadcast_in_dim3A_321, %broadcast_in_dim3A_322 : vector<16xi1>, vector<16xf32>
      %jit3A_324 = arith.constant 1.630000e+00 : f32
      %broadcast_in_dim3A_325 = vector.broadcast %jit3A_324 : f32 to vector<16xf32>
      %select_n3A_326 = arith.select %eq3A_307, %broadcast_in_dim3A_325, %select_n3A_323 : vector<16xi1>, vector<16xf32>
      %jit3A_327 = arith.constant 1.760000e+00 : f32
      %jit3A_328 = arith.constant 1.730000e+00 : f32
      %broadcast_in_dim3A_329 = vector.broadcast %jit3A_327 : f32 to vector<16xf32>
      %broadcast_in_dim3A_330 = vector.broadcast %jit3A_328 : f32 to vector<16xf32>
      %select_n3A_331 = arith.select %eq3A_310, %broadcast_in_dim3A_329, %broadcast_in_dim3A_330 : vector<16xi1>, vector<16xf32>
      %jit3A_332 = arith.constant 1.530000e+00 : f32
      %broadcast_in_dim3A_333 = vector.broadcast %jit3A_332 : f32 to vector<16xf32>
      %select_n3A_334 = arith.select %eq3A_307, %broadcast_in_dim3A_333, %select_n3A_331 : vector<16xi1>, vector<16xf32>
      %div3A_335 = arith.constant 5.000000e+00 : f32
      %div3A_336 = vector.broadcast %div3A_335 : f32 to vector<16xf32>
      %div3A_337 = arith.divf %gather3A_296, %div3A_336 : vector<16xf32>
      %exp3A_338 = math.exp %div3A_337 : vector<16xf32>
      %mul3A_339 = arith.mulf %exp3A_338, %select_n3A_318 : vector<16xf32>
      %div3A_340 = arith.constant 5.000000e+00 : f32
      %div3A_341 = vector.broadcast %div3A_340 : f32 to vector<16xf32>
      %div3A_342 = arith.divf %gather3A_300, %div3A_341 : vector<16xf32>
      %exp3A_343 = math.exp %div3A_342 : vector<16xf32>
      %mul3A_344 = arith.mulf %exp3A_343, %select_n3A_326 : vector<16xf32>
      %div3A_345 = arith.constant 5.000000e+00 : f32
      %div3A_346 = vector.broadcast %div3A_345 : f32 to vector<16xf32>
      %div3A_347 = arith.divf %gather3A_304, %div3A_346 : vector<16xf32>
      %exp3A_348 = math.exp %div3A_347 : vector<16xf32>
      %mul3A_349 = arith.mulf %exp3A_348, %select_n3A_334 : vector<16xf32>
      %add3A_350 = arith.constant 9 : i32
      %add3A_351 = vector.broadcast %add3A_350 : i32 to vector<16xi32>
      %add3A_352 = arith.addi %mul3A_278, %add3A_351 : vector<16xi32>
      %gather3A_353 = tpu.vector_load_idx %arg5[%add3A_352] : memref<3840xf32, #tpu.memory_space<vmem>>[vector<16xi32>], vector<16xf32>,
      %add3A_354 = arith.constant 10 : i32
      %add3A_355 = vector.broadcast %add3A_354 : i32 to vector<16xi32>
      %add3A_356 = arith.addi %mul3A_278, %add3A_355 : vector<16xi32>
      %gather3A_357 = tpu.vector_load_idx %arg5[%add3A_356] : memref<3840xf32, #tpu.memory_space<vmem>>[vector<16xi32>], vector<16xf32>,
      %gt3A_358 = arith.cmpf ogt, %gather3A_357, %gather3A_353 : vector<16xf32>
      %jit3A_359 = arith.constant 13 : i32
      %jit3A_360 = arith.constant 11 : i32
      %broadcast_in_dim3A_361 = vector.broadcast %jit3A_359 : i32 to vector<16xi32>
      %broadcast_in_dim3A_362 = vector.broadcast %jit3A_360 : i32 to vector<16xi32>
      %select_n3A_363 = arith.select %gt3A_358, %broadcast_in_dim3A_361, %broadcast_in_dim3A_362 : vector<16xi1>, vector<16xi32>
      %add3A_364 = arith.addi %mul3A_278, %select_n3A_363 : vector<16xi32>
      %gather3A_365 = tpu.vector_load_idx %arg5[%add3A_364] : memref<3840xf32, #tpu.memory_space<vmem>>[vector<16xi32>], vector<16xf32>,
      %add3A_366 = arith.constant 1 : i32
      %add3A_367 = vector.broadcast %add3A_366 : i32 to vector<16xi32>
      %add3A_368 = arith.addi %add3A_364, %add3A_367 : vector<16xi32>
      %gather3A_369 = tpu.vector_load_idx %arg5[%add3A_368] : memref<3840xf32, #tpu.memory_space<vmem>>[vector<16xi32>], vector<16xf32>,
      %abs3A_370 = math.absf %gather3A_369 : vector<16xf32>
      %abs3A_371 = math.absf %gather3A_365 : vector<16xf32>
      %max3A_372 = arith.maximumf %abs3A_370, %abs3A_371 : vector<16xf32>
      %min3A_373 = arith.minimumf %abs3A_370, %abs3A_371 : vector<16xf32>
      %eq3A_374 = arith.constant 0.000000e+00 : f32
      %eq3A_375 = vector.broadcast %eq3A_374 : f32 to vector<16xf32>
      %eq3A_376 = arith.cmpf oeq, %max3A_372, %eq3A_375 : vector<16xf32>
      %jit3A_377 = arith.constant 1.000000e+00 : f32
      %broadcast_in_dim3A_378 = vector.broadcast %jit3A_377 : f32 to vector<16xf32>
      %select_n3A_379 = arith.select %eq3A_376, %broadcast_in_dim3A_378, %max3A_372 : vector<16xi1>, vector<16xf32>
      %div3A_380 = arith.divf %min3A_373, %select_n3A_379 : vector<16xf32>
      %mul3A_381 = arith.mulf %div3A_380, %div3A_380 : vector<16xf32>
      %mul3A_382 = arith.constant -1.172120e-02 : f32
      %mul3A_383 = vector.broadcast %mul3A_382 : f32 to vector<16xf32>
      %mul3A_384 = arith.mulf %mul3A_383, %mul3A_381 : vector<16xf32>
      %add3A_385 = arith.constant 0.0526533201 : f32
      %add3A_386 = vector.broadcast %add3A_385 : f32 to vector<16xf32>
      %add3A_387 = arith.addf %mul3A_384, %add3A_386 : vector<16xf32>
      %mul3A_388 = arith.mulf %add3A_387, %mul3A_381 : vector<16xf32>
      %add3A_389 = arith.constant -0.116432868 : f32
      %add3A_390 = vector.broadcast %add3A_389 : f32 to vector<16xf32>
      %add3A_391 = arith.addf %mul3A_388, %add3A_390 : vector<16xf32>
      %mul3A_392 = arith.mulf %add3A_391, %mul3A_381 : vector<16xf32>
      %add3A_393 = arith.constant 0.193543464 : f32
      %add3A_394 = vector.broadcast %add3A_393 : f32 to vector<16xf32>
      %add3A_395 = arith.addf %mul3A_392, %add3A_394 : vector<16xf32>
      %mul3A_396 = arith.mulf %add3A_395, %mul3A_381 : vector<16xf32>
      %add3A_397 = arith.constant -0.332623482 : f32
      %add3A_398 = vector.broadcast %add3A_397 : f32 to vector<16xf32>
      %add3A_399 = arith.addf %mul3A_396, %add3A_398 : vector<16xf32>
      %mul3A_400 = arith.mulf %add3A_399, %mul3A_381 : vector<16xf32>
      %add3A_401 = arith.constant 0.999977231 : f32
      %add3A_402 = vector.broadcast %add3A_401 : f32 to vector<16xf32>
      %add3A_403 = arith.addf %mul3A_400, %add3A_402 : vector<16xf32>
      %mul3A_404 = arith.mulf %div3A_380, %add3A_403 : vector<16xf32>
      %gt3A_405 = arith.cmpf ogt, %abs3A_371, %abs3A_370 : vector<16xf32>
      %sub3A_406 = arith.constant 1.57079637 : f32
      %sub3A_407 = vector.broadcast %sub3A_406 : f32 to vector<16xf32>
      %sub3A_408 = arith.subf %sub3A_407, %mul3A_404 : vector<16xf32>
      %select_n3A_409 = arith.select %gt3A_405, %sub3A_408, %mul3A_404 : vector<16xi1>, vector<16xf32>
      %lt3A_410 = arith.constant 0.000000e+00 : f32
      %lt3A_411 = vector.broadcast %lt3A_410 : f32 to vector<16xf32>
      %lt3A_412 = arith.cmpf olt, %gather3A_369, %lt3A_411 : vector<16xf32>
      %sub3A_413 = arith.constant 3.14159274 : f32
      %sub3A_414 = vector.broadcast %sub3A_413 : f32 to vector<16xf32>
      %sub3A_415 = arith.subf %sub3A_414, %select_n3A_409 : vector<16xf32>
      %select_n3A_416 = arith.select %lt3A_412, %sub3A_415, %select_n3A_409 : vector<16xi1>, vector<16xf32>
      %lt3A_417 = arith.constant 0.000000e+00 : f32
      %lt3A_418 = vector.broadcast %lt3A_417 : f32 to vector<16xf32>
      %lt3A_419 = arith.cmpf olt, %gather3A_365, %lt3A_418 : vector<16xf32>
      %neg3A_420 = arith.constant 0.000000e+00 : f32
      %neg3A_421 = vector.broadcast %neg3A_420 : f32 to vector<16xf32>
      %neg3A_422 = arith.subf %neg3A_421, %select_n3A_416 : vector<16xf32>
      %select_n3A_423 = arith.select %lt3A_419, %neg3A_422, %select_n3A_416 : vector<16xi1>, vector<16xf32>
      %jit3A_424 = arith.constant 1.57079637 : f32
      %jit3A_425 = arith.constant -1.57079637 : f32
      %broadcast_in_dim3A_426 = vector.broadcast %jit3A_424 : f32 to vector<16xf32>
      %broadcast_in_dim3A_427 = vector.broadcast %jit3A_425 : f32 to vector<16xf32>
      %select_n3A_428 = arith.select %gt3A_358, %broadcast_in_dim3A_426, %broadcast_in_dim3A_427 : vector<16xi1>, vector<16xf32>
      %add3A_429 = arith.addf %select_n3A_423, %select_n3A_428 : vector<16xf32>
      %mul3A_430 = arith.constant 2 : i32
      %mul3A_431 = vector.broadcast %mul3A_430 : i32 to vector<16xi32>
      %mul3A_432 = arith.muli %min3A_291, %mul3A_431 : vector<16xi32>
      %add3A_433 = arith.addi %mul3A_278, %mul3A_432 : vector<16xi32>
      %add3A_434 = arith.constant 15 : i32
      %add3A_435 = vector.broadcast %add3A_434 : i32 to vector<16xi32>
      %add3A_436 = arith.addi %add3A_433, %add3A_435 : vector<16xi32>
      %gather3A_437 = tpu.vector_load_idx %arg5[%add3A_436] : memref<3840xf32, #tpu.memory_space<vmem>>[vector<16xi32>], vector<16xf32>,
      %div3A_438 = arith.constant 1.000000e+01 : f32
      %div3A_439 = vector.broadcast %div3A_438 : f32 to vector<16xf32>
      %div3A_440 = arith.divf %gather3A_437, %div3A_439 : vector<16xf32>
      %add3A_441 = arith.constant 1 : i32
      %add3A_442 = vector.broadcast %add3A_441 : i32 to vector<16xi32>
      %add3A_443 = arith.addi %add3A_436, %add3A_442 : vector<16xi32>
      %gather3A_444 = tpu.vector_load_idx %arg5[%add3A_443] : memref<3840xf32, #tpu.memory_space<vmem>>[vector<16xi32>], vector<16xf32>,
      %div3A_445 = arith.constant 1.000000e+01 : f32
      %div3A_446 = vector.broadcast %div3A_445 : f32 to vector<16xf32>
      %div3A_447 = arith.divf %gather3A_444, %div3A_446 : vector<16xf32>
      %add3A_448 = arith.constant 3.000000e+01 : f32
      %add3A_449 = vector.broadcast %add3A_448 : f32 to vector<16xf32>
      %add3A_450 = arith.addf %div3A_447, %add3A_449 : vector<16xf32>
      %add3A_451 = arith.constant 2 : i32
      %add3A_452 = vector.broadcast %add3A_451 : i32 to vector<16xi32>
      %add3A_453 = arith.addi %add3A_436, %add3A_452 : vector<16xi32>
      %gather3A_454 = tpu.vector_load_idx %arg5[%add3A_453] : memref<3840xf32, #tpu.memory_space<vmem>>[vector<16xi32>], vector<16xf32>,
      %div3A_455 = arith.constant 1.000000e+01 : f32
      %div3A_456 = vector.broadcast %div3A_455 : f32 to vector<16xf32>
      %div3A_457 = arith.divf %gather3A_454, %div3A_456 : vector<16xf32>
      %div3A_458 = arith.divf %div3A_440, %add3A_450 : vector<16xf32>
      %abs3A_459 = math.absf %div3A_458 : vector<16xf32>
      %gt3A_460 = arith.constant 1.000000e+00 : f32
      %gt3A_461 = vector.broadcast %gt3A_460 : f32 to vector<16xf32>
      %gt3A_462 = arith.cmpf ogt, %abs3A_459, %gt3A_461 : vector<16xf32>
      %eq3A_463 = arith.constant 0.000000e+00 : f32
      %eq3A_464 = vector.broadcast %eq3A_463 : f32 to vector<16xf32>
      %eq3A_465 = arith.cmpf oeq, %abs3A_459, %eq3A_464 : vector<16xf32>
      %jit3A_466 = arith.constant 1.000000e+00 : f32
      %broadcast_in_dim3A_467 = vector.broadcast %jit3A_466 : f32 to vector<16xf32>
      %select_n3A_468 = arith.select %eq3A_465, %broadcast_in_dim3A_467, %abs3A_459 : vector<16xi1>, vector<16xf32>
      %div3A_469 = arith.constant 1.000000e+00 : f32
      %div3A_470 = vector.broadcast %div3A_469 : f32 to vector<16xf32>
      %div3A_471 = arith.divf %div3A_470, %select_n3A_468 : vector<16xf32>
      %select_n3A_472 = arith.select %gt3A_462, %div3A_471, %abs3A_459 : vector<16xi1>, vector<16xf32>
      %mul3A_473 = arith.mulf %select_n3A_472, %select_n3A_472 : vector<16xf32>
      %mul3A_474 = arith.constant -1.172120e-02 : f32
      %mul3A_475 = vector.broadcast %mul3A_474 : f32 to vector<16xf32>
      %mul3A_476 = arith.mulf %mul3A_475, %mul3A_473 : vector<16xf32>
      %add3A_477 = arith.constant 0.0526533201 : f32
      %add3A_478 = vector.broadcast %add3A_477 : f32 to vector<16xf32>
      %add3A_479 = arith.addf %mul3A_476, %add3A_478 : vector<16xf32>
      %mul3A_480 = arith.mulf %add3A_479, %mul3A_473 : vector<16xf32>
      %add3A_481 = arith.constant -0.116432868 : f32
      %add3A_482 = vector.broadcast %add3A_481 : f32 to vector<16xf32>
      %add3A_483 = arith.addf %mul3A_480, %add3A_482 : vector<16xf32>
      %mul3A_484 = arith.mulf %add3A_483, %mul3A_473 : vector<16xf32>
      %add3A_485 = arith.constant 0.193543464 : f32
      %add3A_486 = vector.broadcast %add3A_485 : f32 to vector<16xf32>
      %add3A_487 = arith.addf %mul3A_484, %add3A_486 : vector<16xf32>
      %mul3A_488 = arith.mulf %add3A_487, %mul3A_473 : vector<16xf32>
      %add3A_489 = arith.constant -0.332623482 : f32
      %add3A_490 = vector.broadcast %add3A_489 : f32 to vector<16xf32>
      %add3A_491 = arith.addf %mul3A_488, %add3A_490 : vector<16xf32>
      %mul3A_492 = arith.mulf %add3A_491, %mul3A_473 : vector<16xf32>
      %add3A_493 = arith.constant 0.999977231 : f32
      %add3A_494 = vector.broadcast %add3A_493 : f32 to vector<16xf32>
      %add3A_495 = arith.addf %mul3A_492, %add3A_494 : vector<16xf32>
      %mul3A_496 = arith.mulf %select_n3A_472, %add3A_495 : vector<16xf32>
      %sub3A_497 = arith.constant 1.57079637 : f32
      %sub3A_498 = vector.broadcast %sub3A_497 : f32 to vector<16xf32>
      %sub3A_499 = arith.subf %sub3A_498, %mul3A_496 : vector<16xf32>
      %select_n3A_500 = arith.select %gt3A_462, %sub3A_499, %mul3A_496 : vector<16xi1>, vector<16xf32>
      %lt3A_501 = arith.constant 0.000000e+00 : f32
      %lt3A_502 = vector.broadcast %lt3A_501 : f32 to vector<16xf32>
      %lt3A_503 = arith.cmpf olt, %div3A_458, %lt3A_502 : vector<16xf32>
      %neg3A_504 = arith.constant 0.000000e+00 : f32
      %neg3A_505 = vector.broadcast %neg3A_504 : f32 to vector<16xf32>
      %neg3A_506 = arith.subf %neg3A_505, %select_n3A_500 : vector<16xf32>
      %select_n3A_507 = arith.select %lt3A_503, %neg3A_506, %select_n3A_500 : vector<16xi1>, vector<16xf32>
      %add3A_508 = arith.addf %add3A_429, %select_n3A_507 : vector<16xf32>
      %add3A_509 = arith.constant 0 : i32
      %add3A_510 = vector.broadcast %add3A_509 : i32 to vector<16xi32>
      %add3A_511 = arith.addi %broadcast_in_dim3A_12, %add3A_510 : vector<16xi32>
      tpu.vector_store_idx %arg7[%add3A_275, %add3A_511], %add3A_508 : memref<160x8xf32, #tpu.memory_space<vmem>>[vector<16xi32>, vector<16xi32>], vector<16xf32>,
      %add3A_512 = arith.constant 1 : i32
      %add3A_513 = vector.broadcast %add3A_512 : i32 to vector<16xi32>
      %add3A_514 = arith.addi %broadcast_in_dim3A_12, %add3A_513 : vector<16xi32>
      tpu.vector_store_idx %arg7[%add3A_275, %add3A_514], %mul3A_339 : memref<160x8xf32, #tpu.memory_space<vmem>>[vector<16xi32>, vector<16xi32>], vector<16xf32>,
      %add3A_515 = arith.constant 2 : i32
      %add3A_516 = vector.broadcast %add3A_515 : i32 to vector<16xi32>
      %add3A_517 = arith.addi %broadcast_in_dim3A_12, %add3A_516 : vector<16xi32>
      tpu.vector_store_idx %arg7[%add3A_275, %add3A_517], %mul3A_344 : memref<160x8xf32, #tpu.memory_space<vmem>>[vector<16xi32>, vector<16xi32>], vector<16xf32>,
      %add3A_518 = arith.constant 3 : i32
      %add3A_519 = vector.broadcast %add3A_518 : i32 to vector<16xi32>
      %add3A_520 = arith.addi %broadcast_in_dim3A_12, %add3A_519 : vector<16xi32>
      tpu.vector_store_idx %arg7[%add3A_275, %add3A_520], %mul3A_349 : memref<160x8xf32, #tpu.memory_space<vmem>>[vector<16xi32>, vector<16xi32>], vector<16xf32>,
      %add3A_521 = arith.constant 4 : i32
      %add3A_522 = vector.broadcast %add3A_521 : i32 to vector<16xi32>
      %add3A_523 = arith.addi %broadcast_in_dim3A_12, %add3A_522 : vector<16xi32>
      tpu.vector_store_idx %arg7[%add3A_275, %add3A_523], %div3A_440 : memref<160x8xf32, #tpu.memory_space<vmem>>[vector<16xi32>, vector<16xi32>], vector<16xf32>,
      %add3A_524 = arith.constant 5 : i32
      %add3A_525 = vector.broadcast %add3A_524 : i32 to vector<16xi32>
      %add3A_526 = arith.addi %broadcast_in_dim3A_12, %add3A_525 : vector<16xi32>
      tpu.vector_store_idx %arg7[%add3A_275, %add3A_526], %add3A_450 : memref<160x8xf32, #tpu.memory_space<vmem>>[vector<16xi32>, vector<16xi32>], vector<16xf32>,
      %add3A_527 = arith.constant 6 : i32
      %add3A_528 = vector.broadcast %add3A_527 : i32 to vector<16xi32>
      %add3A_529 = arith.addi %broadcast_in_dim3A_12, %add3A_528 : vector<16xi32>
      tpu.vector_store_idx %arg7[%add3A_275, %add3A_529], %div3A_457 : memref<160x8xf32, #tpu.memory_space<vmem>>[vector<16xi32>, vector<16xi32>], vector<16xf32>,
      %add3A_530 = arith.constant 7 : i32
      %add3A_531 = vector.broadcast %add3A_530 : i32 to vector<16xi32>
      %add3A_532 = arith.addi %broadcast_in_dim3A_12, %add3A_531 : vector<16xi32>
      tpu.vector_store_idx %arg7[%add3A_275, %add3A_532], %add3A_429 : memref<160x8xf32, #tpu.memory_space<vmem>>[vector<16xi32>, vector<16xi32>], vector<16xf32>,
      %scan3A_533 = arith.constant 0 : i32
      scf.yield %scan3A_533 : i32
    }
    %scan3A_18 = arith.constant 10 : i32
    "tpu.region"() ({
      %run_scoped3A = tpu.sem_alloc : memref<!tpu.dma_semaphore, #tpu.memory_space<semaphore_mem>>
      %dma_start3A_19 = arith.constant 0 : i32
      %dma_start3A_20 = tpu.memref_slice %arg4[%min3A_3, %dma_start3A_19] : memref<5000x8xf32, #tpu.memory_space<hbm>> -> memref<160x8xf32, #tpu.memory_space<hbm>>
      %dma_start3A_21 = arith.constant 0 : i32
      %dma_start3A_22 = tpu.memref_slice %arg4[%min3A_3, %dma_start3A_21] : memref<5000x8xf32, #tpu.memory_space<hbm>> -> memref<160x8xf32, #tpu.memory_space<hbm>>
      tpu.enqueue_dma source(%arg7 : memref<160x8xf32, #tpu.memory_space<vmem>>) target(%dma_start3A_22 : memref<160x8xf32, #tpu.memory_space<hbm>>) target_semaphore(%run_scoped3A : memref<!tpu.dma_semaphore, #tpu.memory_space<semaphore_mem>>)
      %dma_wait3A_23 = arith.constant 0 : i32
      %dma_wait3A_24 = tpu.memref_slice %arg4[%min3A_3, %dma_wait3A_23] : memref<5000x8xf32, #tpu.memory_space<hbm>> -> memref<160x8xf32, #tpu.memory_space<hbm>>
      %dma_wait3A_25 = arith.constant 0 : i32
      %dma_wait3A_26 = tpu.memref_slice %arg4[%min3A_3, %dma_wait3A_25] : memref<5000x8xf32, #tpu.memory_space<hbm>> -> memref<160x8xf32, #tpu.memory_space<hbm>>
      tpu.wait_dma2 semaphore(%run_scoped3A : memref<!tpu.dma_semaphore, #tpu.memory_space<semaphore_mem>>) src(%arg7 : memref<160x8xf32, #tpu.memory_space<vmem>>) dst(%dma_wait3A_26 : memref<160x8xf32, #tpu.memory_space<hbm>>)
      tpu.yield
    }) : () -> ()
    return
  }
}

</mosaic_0001>

<sc_bundles>
// kernel: kernel.3.cloned.1.call-start
scs
__scs_entry_jumppad:
0x0: {  	(pc) =	sbr.rel $0x88, $3  }
0x1: {  	(tag) =	ssettag $0x0;
	lr =	simm.s32 $0x1  }
0x2: {  	[smem:$0x3F9C] =	sst lr;
	_ =	strace $0xD0000000  }
0x3: {  	_ = 	snop  }
0x4: {  	_ = 	snop  }
0x5: {  	_ = 	snop  }
0x6: {  	_ = 	snop  }
0x7: {  	_ = 	snop  }
__scs_overlays_trampoline_lowered:
0x8: {  	[smem:$0x3FAB] =	sst s0  }
0x9: {  	[smem:$0x3FAC] =	sst s1  }
0xa: {  	[smem:$0x3FAD] =	sst s2  }
0xb: {  	[smem:$0x3FAE] =	sst s3  }
0xc: {  	[smem:$0x3FAF] =	sst s4  }
0xd: {  	[smem:$0x3FB0] =	sst s5  }
0xe: {  	[smem:$0x3FB1] =	sst s6  }
0xf: {  	[smem:$0x3FB2] =	sst s7  }
0x10: {  	[smem:$0x3FB3] =	sst s8  }
0x11: {  	[smem:$0x3FB4] =	sst s9;
	s0 =	simm.s32 @!p0 $0x0  }
0x12: {  	s1 =	sld [smem:$0x3F9A];
	s0 =	simm.s32 @p0 $0x1  }
0x13: {  	[smem:$0x3FB5] =	sst s0;
	s0 =	simm.s32 @!p1 $0x0  }
0x14: {  	s2 =	sld [smem:$0x3F99];
	s0 =	simm.s32 @p1 $0x1  }
0x15: {  	[smem:$0x3FB6] =	sst s0;
	s0 =	simm.s32 @!p2 $0x0  }
0x16: {  	s3 =	sld [smem:$0x3FDB];
	s0 =	simm.s32 @p2 $0x1  }
0x17: {  	s4 =	simm.s32 $0x1BF5;
	[smem:$0x3FB8] =	sst s0  }
0x18: {  	s0 =	sld [smem:$0x3F9B];
	_ =	swait.ge [sflag:s4], $0x0  }
0x19: {  	s7 =	sld [smem:$0x3F9C]  }
0x1a: {  	s8 =	sadd.s32 $0xFFFFE003, lr  }
0x1b: {  	s9 =	sadd.s32 $0xFFFFFEF7, lr;
	s5 =	simm.s32 $0xFFFFFFFF;
	p2 =	slt.u32 s8, $0xFFFFF086  }
0x1c: {  	p1 =	slt.u32 s9, $0xF7A;
	s5 =	simm.s32 @!p2 $0x0  }
0x1d: {  	s5 =	simm.s32 @p1 $0x1;
	p0 =	seq.s32 s7, s2  }
0x1e: {  	s7 =	smul.u32 @!p0 $0xF7A, s2;
	p2 =	seq.s32 @!p0 s5, $0x0  }
0x1f: {  	s9 =	smul.u32 $0xF7A, s1;
	s8 =	simm.s32 @!p0 $0x1BF5;
	p2 =	por !p2, p0  }
0x20: {  	[sflag:s8] =	ssyncset.s32 @!p0 $0xFFFFF086;
	s6 =	sadd.s32 @!p0 s3, s7;
	s7 =	simm.s32 @!p0 $0x108  }
0x21: {  	s3 =	sadd.s32 s3, s9;
	s6 =	sadd.s32 @!p0 $0x88, s6;
	s7 =	simm.s32 @p2 $0x1082  }
0x22: {  	[simem:s7], [sflag:s8] =	dma.local @!p0 [hbm:s6], $0xF7A  }
0x23: {  	s9 =	sor.u32 $0xD0000000, s2;
	s6 =	simm.s32 $0x108;
	_ =	swait.ge @!p0 [sflag:s8], $0x0  }
0x24: {  	s3 =	sadd.s32 $0x88, s3;
	s6 =	simm.s32 @!p1 $0x1082;
	[sflag:s4] =	ssyncset.s32 $0xFFFFF086  }
0x25: {  	[simem:s6], [sflag:s4] =	dma.local [hbm:s3], $0xF7A  }
0x26: {  	[smem:$0x3F9C] =	sst s1;
	(tag) =	ssettag s2;
	_ =	strace s9  }
0x27: {  	s1 =	sld [smem:$0x3FAC]  }
0x28: {  	s2 =	sld [smem:$0x3FAD]  }
0x29: {  	s4 =	sld [smem:$0x3FAF]  }
0x2a: {  	p0 =	seq.s32 s5, $0x0;
	s5 =	sld [smem:$0x3FB0]  }
0x2b: {  	s6 =	sld [smem:$0x3FB1]  }
0x2c: {  	s7 =	sld [smem:$0x3FB2]  }
0x2d: {  	s3 =	simm.s32 $0x108;
	s8 =	sld [smem:$0x3FB3]  }
0x2e: {  	s3 =	simm.s32 @!p0 $0x1082;
	s9 =	sld [smem:$0x3FB4]  }
0x2f: {  	lr =	sadd.s32 s0, s3;
	s0 =	sld [smem:$0x3FAB]  }
0x30: {  	s3 =	sld [smem:$0x3FAE]  }
0x31: {  	[smem:$0x3FB7] =	sst s10  }
0x32: {  	s10 =	sld [smem:$0x3FB5];
	_ =	sdelay $0x3  }
0x33: {  	p0 =	seq.s32 s10, $0x1;
	s10 =	sld [smem:$0x3FB7];
	_ =	sdelay $0x3  }
0x34: {  	[smem:$0x3FB7] =	sst s10  }
0x35: {  	s10 =	sld [smem:$0x3FB6];
	_ =	sdelay $0x3  }
0x36: {  	p1 =	seq.s32 s10, $0x1;
	s10 =	sld [smem:$0x3FB7];
	_ =	sdelay $0x3  }
0x37: {  	[smem:$0x3FB7] =	sst s10  }
0x38: {  	s10 =	sld [smem:$0x3FB8]  }
0x39: {  	_ = 	snop;
	(pc) =	sbr.ind lr, $3  }
0x3a: {  	_ = 	snop  }
0x3b: {  	_ = 	snop  }
0x3c: {  	p2 =	seq.s32 s10, $0x1;
	s10 =	sld [smem:$0x3FB7]  }
0x3d: {  	_ =	shalt  }
0x3e: {  	_ =	shalt  }
0x3f: {  	_ =	shalt  }
0x40: {  	_ =	shalt  }
0x41: {  	_ =	shalt  }
0x42: {  	_ =	shalt  }
0x43: {  	_ =	shalt  }
0x44: {  	_ =	shalt  }
0x45: {  	_ =	shalt  }
0x46: {  	_ =	shalt  }
0x47: {  	_ =	shalt  }
0x48: {  	_ =	shalt  }
0x49: {  	_ =	shalt  }
0x4a: {  	_ =	shalt  }
0x4b: {  	_ =	shalt  }
0x4c: {  	_ =	shalt  }
0x4d: {  	_ =	shalt  }
0x4e: {  	_ =	shalt  }
0x4f: {  	_ =	shalt  }
0x50: {  	_ =	shalt  }
0x51: {  	_ =	shalt  }
0x52: {  	_ =	shalt  }
0x53: {  	_ =	shalt  }
0x54: {  	_ =	shalt  }
0x55: {  	_ =	shalt  }
0x56: {  	_ =	shalt  }
0x57: {  	_ =	shalt  }
0x58: {  	_ =	shalt  }
0x59: {  	_ =	shalt  }
0x5a: {  	_ =	shalt  }
0x5b: {  	_ =	shalt  }
0x5c: {  	_ =	shalt  }
0x5d: {  	_ =	shalt  }
0x5e: {  	_ =	shalt  }
0x5f: {  	_ =	shalt  }
0x60: {  	_ =	shalt  }
0x61: {  	_ =	shalt  }
0x62: {  	_ =	shalt  }
0x63: {  	_ =	shalt  }
0x64: {  	_ =	shalt  }
0x65: {  	_ =	shalt  }
0x66: {  	_ =	shalt  }
0x67: {  	_ =	shalt  }
0x68: {  	_ =	shalt  }
0x69: {  	_ =	shalt  }
0x6a: {  	_ =	shalt  }
0x6b: {  	_ =	shalt  }
0x6c: {  	_ =	shalt  }
0x6d: {  	_ =	shalt  }
0x6e: {  	_ =	shalt  }
0x6f: {  	_ =	shalt  }
0x70: {  	_ =	shalt  }
0x71: {  	_ =	shalt  }
0x72: {  	_ =	shalt  }
0x73: {  	_ =	shalt  }
0x74: {  	_ =	shalt  }
0x75: {  	_ =	shalt  }
0x76: {  	_ =	shalt  }
0x77: {  	_ =	shalt  }
0x78: {  	_ =	shalt  }
0x79: {  	_ =	shalt  }
0x7a: {  	_ =	shalt  }
0x7b: {  	_ =	shalt  }
0x7c: {  	_ =	shalt  }
0x7d: {  	_ =	shalt  }
0x7e: {  	_ =	shalt  }
0x7f: {  	_ =	shalt  }
0x80: {  	_ =	shalt  }
0x81: {  	_ =	shalt  }
0x82: {  	_ =	shalt  }
0x83: {  	_ =	shalt  }
0x84: {  	_ =	shalt  }
0x85: {  	_ =	shalt  }
0x86: {  	_ =	shalt  }
0x87: {  	_ =	shalt  }
.Lfunc_end0:
.L_simem_size_0:
called_computation_lowered:
.L_overlay_start_0:
0x88: {  	s2 =	sld [smem:$0x3FD9]  }
0x89: {  	s3 =	sld [smem:$0x3FFE];
	_ =	sdelay $0x1  }
0x8a: {  	s1 =	srdreg.scid  }
0x8b: {  	s0 =	sand.u32 $0x1, s1  }
0x8c: {  	s17 =	sshll.u32 s0, $0xA;
	s2 =	sadd.s32 s3, s2  }
0x8d: {  	s2 =	sadd.s32 s2, s17  }
0x8e: {  	[smem:$0x3FC3] =	sst s2  }
0x8f: {  	_ = 	snop  }
0x90: {  	s2 =	sld [smem:$0x3FC5]  }
0x91: {  	s18 =	sld [smem:$0x3FD0];
	(tm) =	ssettm $0x1  }
0x92: {  	s4 =	sld [smem:$0x3FFB];
	_ =	sdelay $0x3  }
0x93: {  	_ =	strace s4  }
0x94: {  	s4 =	sld [smem:$0x3FFC];
	_ =	sdelay $0x3  }
0x95: {  	_ =	strace s4  }
0x96: {  	s4 =	sld [smem:$0x3FFD];
	_ =	sdelay $0x3  }
0x97: {  	_ =	strace s4  }
0x98: {  	_ =	strace $0x8FFFFFFF  }
0x99: {  	s19 =	sld [smem:$0x3FDB];
	_ =	sdelay $0x1  }
0x9a: {  	s5 =	simm.s32 $_scs_section_size  }
0x9b: {  	s6 =	simm.s32 $_size__tile_overlayer_lowered;
	s7 =	simm.s32 $_tile_overlayer_lowered  }
0x9c: {  	s22 =	simm.s32 $0x1BFF;
	s21 =	sshll.u32 s7, $0x1;
	s4 =	sadd.s32 s5, s19  }
0x9d: {  	s8 =	simm.s32 $0x0;
	s20 =	sshll.u32 s6, $0x1;
	s6 =	sadd.s32 s21, s4  }
0x9e: {  	[timem:s8], [sflag:s22] =	dma.local [hbm:s6], s20  }
0x9f: {  	_ =	swait.ge [sflag:s22], s20  }
0xa0: {  	s5 =	ssub.s32 $0x0, s20;
	[sflag:s22] =	ssyncset.done $0x0  }
0xa1: {  	[sflag:s22] =	ssyncadd.s32 s5;
	_ =	sdelay $0x1  }
0xa2: {  	s23 =	simm.s32 $0x1B8B  }
0xa3: {  	_ =	swait.ge [sflag:s23], $0x1  }
0xa4: {  	[sflag:s23] =	ssyncset.done $0x0  }
0xa5: {  	s25 =	simm.s32 $0x1B8E;
	s24 =	sld [smem:$0x3FFE];
	[sflag:s23] =	ssyncadd.s32 $0xFFFFFFFF  }
0xa6: {  	s26 =	simm.s32 $execute0_lowered;
	[smem:$0x3FD2] =	sst s25  }
0xa7: {  	s6 =	sshll.u32 s26, $0x1;
	_ =	strace $0x80000046;
	[dreg:$0x1] =	wrdreg $0xFFFFFFFF  }
0xa8: {  	s28 =	simm.s32 $_size_execute0_lowered;
	s4 =	sadd.s32 s4, s6;
	[dreg:$0x0] =	wrdreg $0x0  }
0xa9: {  	s6 =	sshll.u32 s28, $0x1;
	[dreg:$0x2] =	wrdreg s4  }
0xaa: {  	[dreg:$0x3] =	wrdreg s6  }
0xab: {  	[dreg:$0x4] =	wrdreg $0xC0  }
0xac: {  	_ =	task [dreg:s8], $0x5FFFF  }
0xad: {  	[dreg:$0x1] =	wrdreg $0xFFFFFFFF  }
0xae: {  	[dreg:$0x0] =	wrdreg $0x60  }
0xaf: {  	[dreg:$0x2] =	wrdreg s24  }
0xb0: {  	[dreg:$0x3] =	wrdreg s2  }
0xb1: {  	[dreg:$0x4] =	wrdreg s18  }
0xb2: {  	[dreg:$0x5] =	wrdreg $0x9  }
0xb3: {  	_ =	task.clear_ibuf [dreg:s8], $0x6FFFF;
	_ =	strace $0x90000046  }
0xb4: {  	s29 =	simm.s32 $0x9;
	_ =	strace $0x80000048  }
0xb5: {  	_ =	swait.ge [sflag:s29], $0x1  }
0xb6: {  	[sflag:s29] =	ssyncadd.s32 $0xFFFFFFFF  }
0xb7: {  	_ =	strace $0x90000048  }
0xb8: {  	_ =	sfence  }
0xb9: {  	s30 =	sld [smem:$0x0];
	_ =	sdelay $0x2  }
0xba: {  	s31 =	sshll.u32 s1, $0xD;
	s1 =	sshrl.u32 s1, $0x2  }
0xbb: {  	s3 =	sand.u32 $0x4000, s31;
	s1 =	sadd.s32 s1, s30  }
0xbc: {  	s0 =	sor.u32 s3, s0;
	s1 =	sshll.u32 s1, $0x11  }
0xbd: {  	s0 =	sor.u32 s1, s0  }
0xbe: {  	s0 =	sadd.s32 $0x8F2B, s0  }
0xbf: {  	[sflag:s0] =	ssyncadd.remote.s32 $0x1  }
0xc0: {  	_ =	sfence.sel $0xFFFF  }
0xc1: {  	[dreg:$0x0] =	wrdreg $0xFFFFFFFF;
	(pc) =	sbr.abs _section_cstart, $3  }
0xc2: {  	[dreg:$0x1] =	wrdreg $0xFFFFFFFF  }
0xc3: {  	_ =	task.clear_ibuf [dreg:s8], $0x2FFFF;
	_ =	strace $0x9FFFFFFF  }
0xc4: {  	(tm) =	ssettm $0x7FFFFFFF  }
0xc5: {  	_ =	shalt  }
tec
execute0_lowered:
.L_overlay_start_1:
0x0: {  	(tag) =	ssettag $0x1  }
0x1: {  	s3 =	rddreg [dreg:$0x0]  }
0x2: {  	s4 =	rddreg [dreg:$0x1]  }
0x3: {  	s5 =	rddreg [dreg:$0x2];
	s2 =	simm.s32 $0x0  }
0x4: {  	[smem:$0x7FF] =	sst s2  }
0x5: {  	s0 =	rddreg [dreg:$0x3];
	v0 =	vimm.f32 $5.000000000e+00;
	_ =	strace $0x80000047  }
0x6: {  	(erf) = vrcp.f32 v0;
	v0 =	vimm.f32 $1.000000000e+01  }
0x7: {  	s6 =	srdreg.scid;
	s1 =	stileid.u32;
	(erf) = vrcp.f32 v0  }
0x8: {  	s6 =	sand.u32 $0x1, s6;
	s7 =	sshll.u32 s1, $0x1  }
0x9: {  	s7 =	sor.u32 s6, s7  }
0xa: {  	s7 =	smul.u32 $0xA0, s7  }
0xb: {  	s6 =	ssub.s32 $0x2, s6  }
0xc: {  	s10 =	simm.s32 $0x2;
	s9 =	sshrl.u32 s6, $0x1;
	s7 =	smin.u32 s7, $0x12E8  }
0xd: {  	s11 =	simm.s32 $0x0;
	s6 =	ssub.s32 s6, s9;
	s8 =	smul.u32 $0x3, s7  }
0xe: {  	s9 =	simm.s32 $0xFA0;
	s6 =	smax.u32 s6, $0x1;
	s31 =	sshrl.u32 s7, $0x3  }
0xf: {  	v1 =	vlaneseq.u32;
	v2 =	vimm.f32 $1.759999990e+00;
	v3 =	vimm.f32 $6.000000240e-01;
	s5 =	sadd.s32 s5, s7;
	s7 =	simm.s32 $0xF00;
	s3 =	sadd.s32 s8, s3;
	v0 =	vpop (erf)  }
0x10: {  	v5 =	vimm.f32 $1.730000020e+00;
	v6 =	vimm.s32 $0xB;
	v7 =	vimm.f32 $-1.570796370e+00;
	s4 =	sadd.s32 s4, s31;
	s8 =	simm.s32 $0x1;
	s3 =	sadd.s32 $0x400, s3;
	v4 =	vpop (erf)  }
.LBB2_1:
0x11: {  	[tilespmem:s2], [sflag:$0x1] =	stream.linear.gather [hbm4b:s3+s2], $0xF00, $0x38;
	[tilespmem:$0x14A0] =	vst v63  }
0x12: {  	_ = 	snop  }
0x13: {  	[tilespmem:s7], [sflag:$0x1] =	stream.linear.gather [hbm4b:s4+s2], $0xA0, $0x38;
	[tilespmem:$0x14A0] =	vst v63  }
0x14: {  	_ =	swait.ge [sflag:s8], $0xF00  }
0x15: {  	[sflag:s8] =	ssyncset.done $0x0  }
0x16: {  	[sflag:s8] =	ssyncadd.s32 $0xFFFFF100  }
0x17: {  	_ =	swait.ge [sflag:s8], $0xA0  }
0x18: {  	[sflag:s8] =	ssyncset.done $0x0  }
0x19: {  	s12 =	simm.s32 $0xF10;
	[sflag:s8] =	ssyncadd.s32 $0xFFFFFF60  }
0x1a: {  	v8 =	vld [tilespmem:s12+$0xFFFFFFF0]  }
0x1b: {  	s13 =	simm.s32 $0x0  }
0x1c: {  	v9 =	vor.u32 s13, v1  }
0x1d: {  	v10 =	vmul.u32 $0x18, v9;
	_ =	sdelay $0x1  }
0x1e: {  	v11 =	vadd.s32 $0x9, v10;
	v8 =	vadd.s32 $0xFFFFFFFF, v8  }
0x1f: {  	v12 =	vadd.s32 $0xA, v10;
	vm0 =	vgt.s32 v8, $0x0  }
0x20: {  	v13 =	vnsel vm0, $0x0, v8  }
0x21: {  	v13 =	vmin.u32 v13, $0x2  }
0x22: {  	v14 =	vshll.u32 v13, $0x1  }
0x23: {  	v11 =	vld.idx.msk [tilespmem:v11+s2+$0x0], $0xffff;
	v14 =	vor.u32 v10, v14  }
0x24: {  	v12 =	vld.idx.msk [tilespmem:v12+s2+$0x0], $0xffff;
	v15 =	vadd.s32 $0x10, v14;
	_ =	sdelay $0x4  }
0x25: {  	vm10 =	vgt.f32 v12, v11;
	v11 =	vld.idx.msk [tilespmem:v15+s2+$0x0], $0xffff  }
0x26: {  	v12 =	vsel vm10, $0xD, v6  }
0x27: {  	v12 =	vadd.s32 v10, v12  }
0x28: {  	v15 =	vadd.s32 $0x1, v12;
	_ =	sdelay $0x1  }
0x29: {  	v11 =	vmul.f32 v11, v4;
	_ =	sdelay $0x1  }
0x2a: {  	v16 =	vadd.s32 $0xF, v14;
	v12 =	vld.idx.msk [tilespmem:v12+s2+$0x0], $0xffff;
	v11 =	vadd.f32 $3.000000000e+01, v11  }
0x2b: {  	v15 =	vld.idx.msk [tilespmem:v15+s2+$0x0], $0xffff  }
0x2c: {  	(erf) = vrcp.f32 v11;
	_ =	sdelay $0x2  }
0x2d: {  	v16 =	vld.idx.msk [tilespmem:v16+s2+$0x0], $0xffff  }
0x2e: {  	v17 =	vand.u32 $0x7FFFFFFF, v12;
	v18 =	vand.u32 $0x7FFFFFFF, v15  }
0x2f: {  	v19 =	vmax.f32 v18, v17  }
0x30: {  	vm1 =	veq.f32 v19, $0.0e+00  }
0x31: {  	v19 =	vsel vm1, $0x3F800000, v19  }
0x32: {  	v16 =	vmul.f32 v16, v4;
	(erf) = vrcp.f32 v19  }
0x33: {  	v30 =	vpop (erf)  }
0x34: {  	v19 =	vmul.f32 v30, v16;
	_ =	sdelay $0x1  }
0x35: {  	v20 =	vand.u32 $0x7FFFFFFF, v19;
	vm11 =	veq.f32 v19, $0.0e+00  }
0x36: {  	v21 =	vsel vm11, $0x3F800000, v20  }
0x37: {  	(erf) = vrcp.f32 v21;
	_ =	sdelay $0x2  }
0x38: {  	v31 =	vmin.f32 v18, v17;
	v22 =	vpop (erf)  }
0x39: {  	v21 =	vmul.f32 v22, v31;
	_ =	sdelay $0x1  }
0x3a: {  	v22 =	vmul.f32 v21, v21;
	_ =	sdelay $0x1  }
0x3b: {  	v23 =	vmul.f32 $1.172120030e-02, v22  }
0x3c: {  	vm12 =	vgt.f32 v20, $1.000000000e+00;
	v24 =	vpop (erf)  }
0x3d: {  	v23 =	vsub.f32 $5.265332010e-02, v23;
	v20 =	vsel vm12, v24, v20  }
0x3e: {  	v24 =	vmul.f32 v20, v20  }
0x3f: {  	v23 =	vmul.f32 v23, v22  }
0x40: {  	v25 =	vmul.f32 $1.172120030e-02, v24  }
0x41: {  	v23 =	vadd.f32 $-1.164328680e-01, v23  }
0x42: {  	v25 =	vsub.f32 $5.265332010e-02, v25  }
0x43: {  	v13 =	vmul.u32 $0x3, v13;
	v23 =	vmul.f32 v23, v22  }
0x44: {  	v25 =	vmul.f32 v25, v24  }
0x45: {  	v10 =	vadd.s32 v10, v13;
	v13 =	vadd.f32 $1.935434640e-01, v23  }
0x46: {  	v32 =	vadd.s32 $0x1, v10;
	v25 =	vadd.f32 $-1.164328680e-01, v25  }
0x47: {  	v26 =	vadd.s32 $0x2, v10;
	v13 =	vmul.f32 v13, v22  }
0x48: {  	v25 =	vmul.f32 v25, v24  }
0x49: {  	v13 =	vadd.f32 $-3.326234820e-01, v13  }
0x4a: {  	v10 =	vld.idx.msk [tilespmem:v10+s2+$0x0], $0xffff;
	v25 =	vadd.f32 $1.935434640e-01, v25  }
0x4b: {  	v23 =	vld.idx.msk [tilespmem:v32+s2+$0x0], $0xffff;
	v13 =	vmul.f32 v13, v22  }
0x4c: {  	v33 =	vld.idx.msk [tilespmem:v26+s2+$0x0], $0xffff;
	v25 =	vmul.f32 v25, v24  }
0x4d: {  	v13 =	vadd.f32 $9.999772310e-01, v13  }
0x4e: {  	v25 =	vadd.f32 $-3.326234820e-01, v25  }
0x4f: {  	v10 =	vmul.f32 v10, v0;
	v13 =	vmul.f32 v13, v21  }
0x50: {  	v34 =	vmul.f32 v23, v0;
	v35 =	vmul.f32 v25, v24  }
0x51: {  	v10 =	vmul.f32 $1.442695020e+00, v10;
	v22 =	vmul.f32 v33, v0;
	v36 =	vsub.f32 $1.570796370e+00, v13  }
0x52: {  	vm2 =	vgt.f32 v17, v18;
	v17 =	vmul.f32 $1.442695020e+00, v34;
	v37 =	vadd.f32 $9.999772310e-01, v35  }
0x53: {  	(erf) = vpow2.f32 v10;
	v10 =	vmul.f32 $1.442695020e+00, v22;
	v13 =	vsel vm2, v36, v13  }
0x54: {  	(erf) = vpow2.f32 v17;
	v17 =	vsub.f32 $3.141592740e+00, v13;
	v18 =	vmul.f32 v37, v20  }
0x55: {  	v9 =	vshll.u32 v9, $0x3;
	vm13 =	vlt.f32 v15, $0.0e+00;
	(erf) = vpow2.f32 v10  }
0x56: {  	v38 =	vor.u32 $0x3, v9;
	v10 =	vsel vm13, v17, v13;
	v13 =	vsub.f32 $1.570796370e+00, v18  }
0x57: {  	vm3 =	veq.s32 v8, $0x1;
	vm14 =	vlt.f32 v12, $0.0e+00;
	v12 =	vsub.f32 $0.0e+00, v10  }
0x58: {  	v14 =	vadd.s32 $0x11, v14;
	v15 =	vsel vm3, $0x3F570A3D, v2;
	v13 =	vsel vm12, v13, v18  }
0x59: {  	v17 =	vsel vm10, $0x3FC90FDB, v7;
	v10 =	vsel vm14, v12, v10;
	v12 =	vsub.f32 $0.0e+00, v13  }
0x5a: {  	vm15 =	vlt.f32 v19, $0.0e+00;
	v10 =	vadd.f32 v10, v17;
	v17 =	vor.u32 $0x1, v9  }
0x5b: {  	vm4 =	vlt.s32 v8, $0x1;
	v8 =	vor.u32 $0x2, v9;
	v12 =	vsel vm15, v12, v13  }
0x5c: {  	v41 =	vor.u32 $0x4, v9;
	v13 =	vsel vm4, $0x407851EC, v15;
	v15 =	vpop (erf);
	v12 =	vadd.f32 v12, v10  }
0x5d: {  	v39 =	vsel vm4, $0x3FD0A3D7, v3;
	v40 =	vsel vm3, $0x3FE147AE, v5;
	v14 =	vld.idx.msk [tilespmem:v14+s2+$0x0], $0xffff;
	v13 =	vmul.f32 v13, v15;
	v15 =	vpop (erf)  }
0x5e: {  	v44 =	vor.u32 $0x5, v9;
	v42 =	vsel vm4, $0x3FC3D70A, v40;
	v15 =	vmul.f32 v15, v39;
	v43 =	vpop (erf);
	[tilespmem:v9+s9+$0x0] =	vst.idx.msk $0xffff, v12  }
0x5f: {  	v45 =	vor.u32 $0x6, v9;
	v12 =	vmul.f32 v43, v42;
	[tilespmem:v17+s9+$0x0] =	vst.idx.msk $0xffff, v13  }
0x60: {  	v9 =	vor.u32 $0x7, v9;
	[tilespmem:v8+s9+$0x0] =	vst.idx.msk $0xffff, v15  }
0x61: {  	[tilespmem:v38+s9+$0x0] =	vst.idx.msk $0xffff, v12  }
0x62: {  	v8 =	vmul.f32 v14, v4;
	[tilespmem:v41+s9+$0x0] =	vst.idx.msk $0xffff, v16  }
0x63: {  	[tilespmem:v44+s9+$0x0] =	vst.idx.msk $0xffff, v11  }
0x64: {  	[tilespmem:v45+s9+$0x0] =	vst.idx.msk $0xffff, v8  }
0x65: {  	[tilespmem:v9+s9+$0x0] =	vst.idx.msk $0xffff, v10  }
0x66: {  	v8 =	vld [tilespmem:s12+$0x0]  }
0x67: {  	s13 =	simm.s32 $0x10  }
0x68: {  	v10 =	vor.u32 s13, v1  }
0x69: {  	v9 =	vmul.u32 $0x18, v10;
	_ =	sdelay $0x1  }
0x6a: {  	v11 =	vadd.s32 $0xA, v9;
	v12 =	vadd.s32 $0xFFFFFFFF, v8  }
0x6b: {  	v8 =	vadd.s32 $0x9, v9;
	vm5 =	vgt.s32 v12, $0x0  }
0x6c: {  	v13 =	vnsel vm5, $0x0, v12  }
0x6d: {  	v13 =	vmin.u32 v13, $0x2  }
0x6e: {  	v14 =	vshll.u32 v13, $0x1  }
0x6f: {  	v11 =	vld.idx.msk [tilespmem:v11+s2+$0x0], $0xffff;
	v14 =	vor.u32 v9, v14  }
0x70: {  	v8 =	vld.idx.msk [tilespmem:v8+s2+$0x0], $0xffff;
	v15 =	vadd.s32 $0x10, v14;
	_ =	sdelay $0x3  }
0x71: {  	v13 =	vmul.u32 $0x3, v13  }
0x72: {  	vm6 =	vgt.f32 v11, v8;
	v8 =	vld.idx.msk [tilespmem:v15+s2+$0x0], $0xffff  }
0x73: {  	v13 =	vadd.s32 v9, v13  }
0x74: {  	v11 =	vadd.s32 $0x1, v13;
	v15 =	vsel vm6, $0xD, v6  }
0x75: {  	v9 =	vadd.s32 v9, v15  }
0x76: {  	v15 =	vadd.s32 $0x1, v9  }
0x77: {  	v8 =	vmul.f32 v8, v4  }
0x78: {  	v16 =	vld.idx.msk [tilespmem:v13+s2+$0x0], $0xffff  }
0x79: {  	v17 =	vadd.s32 $0xF, v14;
	v11 =	vld.idx.msk [tilespmem:v11+s2+$0x0], $0xffff;
	v8 =	vadd.f32 $3.000000000e+01, v8  }
0x7a: {  	v18 =	vld.idx.msk [tilespmem:v9+s2+$0x0], $0xffff;
	v9 =	vadd.s32 $0x2, v13  }
0x7b: {  	v13 =	vld.idx.msk [tilespmem:v15+s2+$0x0], $0xffff;
	(erf) = vrcp.f32 v8;
	_ =	sdelay $0x2  }
0x7c: {  	v15 =	vmul.f32 v16, v0;
	v16 =	vld.idx.msk [tilespmem:v17+s2+$0x0], $0xffff  }
0x7d: {  	v11 =	vmul.f32 v11, v0;
	v17 =	vld.idx.msk [tilespmem:v9+s2+$0x0], $0xffff  }
0x7e: {  	v9 =	vmul.f32 $1.442695020e+00, v15;
	v46 =	vand.u32 $0x7FFFFFFF, v18;
	v15 =	vand.u32 $0x7FFFFFFF, v13  }
0x7f: {  	v11 =	vmul.f32 $1.442695020e+00, v11;
	v47 =	vmax.f32 v15, v46  }
0x80: {  	(erf) = vpow2.f32 v9;
	vm7 =	veq.f32 v47, $0.0e+00  }
0x81: {  	v9 =	vmul.f32 v16, v4;
	(erf) = vpow2.f32 v11;
	v11 =	vsel vm7, $0x3F800000, v47  }
0x82: {  	(erf) = vrcp.f32 v11;
	v11 =	vmul.f32 v17, v0;
	v16 =	vpop (erf)  }
0x83: {  	v16 =	vmul.f32 v16, v9  }
0x84: {  	v11 =	vmul.f32 $1.442695020e+00, v11  }
0x85: {  	v17 =	vand.u32 $0x7FFFFFFF, v16;
	vm8 =	veq.f32 v16, $0.0e+00  }
0x86: {  	(erf) = vpow2.f32 v11;
	v11 =	vsel vm8, $0x3F800000, v17;
	_ =	sdelay $0x1  }
0x87: {  	(erf) = vrcp.f32 v11  }
0x88: {  	v11 =	vpop (erf)  }
0x89: {  	v48 =	vpop (erf)  }
0x8a: {  	v49 =	vmin.f32 v15, v46;
	v50 =	vpop (erf)  }
0x8b: {  	v21 =	vmul.f32 v50, v49;
	_ =	sdelay $0x1  }
0x8c: {  	v22 =	vmul.f32 v21, v21;
	_ =	sdelay $0x1  }
0x8d: {  	v51 =	vpop (erf);
	v52 =	vmul.f32 $1.172120030e-02, v22  }
0x8e: {  	vm9 =	vgt.f32 v17, $1.000000000e+00;
	v53 =	vpop (erf)  }
0x8f: {  	v17 =	vsel vm9, v53, v17;
	v24 =	vsub.f32 $5.265332010e-02, v52  }
0x90: {  	v25 =	vmul.f32 v17, v17  }
0x91: {  	v24 =	vmul.f32 v24, v22  }
0x92: {  	v54 =	vmul.f32 $1.172120030e-02, v25  }
0x93: {  	v24 =	vadd.f32 $-1.164328680e-01, v24  }
0x94: {  	v26 =	vsub.f32 $5.265332010e-02, v54  }
0x95: {  	v24 =	vmul.f32 v24, v22  }
0x96: {  	v26 =	vmul.f32 v26, v25  }
0x97: {  	v24 =	vadd.f32 $1.935434640e-01, v24  }
0x98: {  	v26 =	vadd.f32 $-1.164328680e-01, v26  }
0x99: {  	v24 =	vmul.f32 v24, v22  }
0x9a: {  	v26 =	vmul.f32 v26, v25  }
0x9b: {  	v24 =	vadd.f32 $-3.326234820e-01, v24  }
0x9c: {  	v26 =	vadd.f32 $1.935434640e-01, v26  }
0x9d: {  	v22 =	vmul.f32 v24, v22  }
0x9e: {  	v55 =	vmul.f32 v26, v25  }
0x9f: {  	v22 =	vadd.f32 $9.999772310e-01, v22  }
0xa0: {  	v24 =	vadd.f32 $-3.326234820e-01, v55  }
0xa1: {  	v21 =	vmul.f32 v22, v21  }
0xa2: {  	v56 =	vmul.f32 v24, v25  }
0xa3: {  	v57 =	vsub.f32 $1.570796370e+00, v21  }
0xa4: {  	vm10 =	vgt.f32 v46, v15;
	v15 =	vadd.f32 $9.999772310e-01, v56  }
0xa5: {  	v19 =	vsel vm10, v57, v21  }
0xa6: {  	v15 =	vmul.f32 v15, v17;
	v21 =	vsub.f32 $3.141592740e+00, v19  }
0xa7: {  	vm12 =	veq.s32 v12, $0x1;
	vm11 =	vlt.f32 v13, $0.0e+00  }
0xa8: {  	vm15 =	vlt.s32 v12, $0x1;
	v17 =	vsub.f32 $1.570796370e+00, v15;
	v13 =	vsel vm11, v21, v19  }
0xa9: {  	v58 =	vsel vm12, $0x3F570A3D, v2;
	v14 =	vadd.s32 $0x11, v14;
	v21 =	vsub.f32 $0.0e+00, v13  }
0xaa: {  	v59 =	vsel vm6, $0x3FC90FDB, v7;
	vm13 =	vlt.f32 v18, $0.0e+00;
	v15 =	vsel vm9, v17, v15  }
0xab: {  	v17 =	vshll.u32 v10, $0x3;
	v10 =	vsel vm13, v21, v13;
	v13 =	vsub.f32 $0.0e+00, v15  }
0xac: {  	vm14 =	vlt.f32 v16, $0.0e+00;
	v16 =	vor.u32 $0x1, v17;
	v10 =	vadd.f32 v10, v59  }
0xad: {  	v62 =	vsel vm15, $0x3FD0A3D7, v3;
	v12 =	vor.u32 $0x2, v17;
	v13 =	vsel vm14, v13, v15  }
0xae: {  	v60 =	vld.idx.msk [tilespmem:v14+s2+$0x0], $0xffff;
	v14 =	vsel vm15, $0x407851EC, v58;
	v15 =	vsel vm12, $0x3FE147AE, v5;
	v13 =	vadd.f32 v13, v10  }
0xaf: {  	v11 =	vmul.f32 v14, v11;
	v61 =	vor.u32 $0x3, v17;
	v14 =	vsel vm15, $0x3FC3D70A, v15  }
0xb0: {  	v15 =	vmul.f32 v48, v62;
	v63 =	vmul.f32 v51, v14;
	v14 =	vor.u32 $0x4, v17;
	[tilespmem:v17+s9+$0x0] =	vst.idx.msk $0xffff, v13  }
0xb1: {  	[tilespmem:v16+s9+$0x0] =	vst.idx.msk $0xffff, v11;
	v11 =	vor.u32 $0x5, v17  }
0xb2: {  	[tilespmem:v12+s9+$0x0] =	vst.idx.msk $0xffff, v15;
	v12 =	vor.u32 $0x6, v17  }
0xb3: {  	v15 =	vor.u32 $0x7, v17  }
0xb4: {  	s14 =	simm.s32 $0x0;
	v13 =	vmul.f32 v60, v4;
	[tilespmem:v61+s9+$0x0] =	vst.idx.msk $0xffff, v63  }
.LBB2_2:
0xb5: {  	s14 =	sadd.s32 $0x2, s14;
	[tilespmem:v14+s9+$0x0] =	vst.idx.msk $0xffff, v9;
	s12 =	sadd.s32 $0x20, s12;
	s13 =	sadd.s32 $0x20, s13  }
0xb6: {  	p0 =	slt.u32 s14, $0x8;
	[tilespmem:v11+s9+$0x0] =	vst.idx.msk $0xffff, v8  }
0xb7: {  	s15 =	sadd.s32 $0xFFFFFFF0, s13;
	[tilespmem:v12+s9+$0x0] =	vst.idx.msk $0xffff, v13  }
0xb8: {  	v8 =	vor.u32 s15, v1;
	[tilespmem:v15+s9+$0x0] =	vst.idx.msk $0xffff, v10  }
0xb9: {  	v9 =	vmul.u32 $0x18, v8;
	v10 =	vld [tilespmem:s12+$0xFFFFFFF0];
	_ =	sdelay $0x1  }
0xba: {  	v11 =	vadd.s32 $0x9, v9;
	v12 =	vadd.s32 $0xA, v9;
	_ =	sdelay $0x2  }
0xbb: {  	v10 =	vadd.s32 $0xFFFFFFFF, v10  }
0xbc: {  	vm0 =	vgt.s32 v10, $0x0  }
0xbd: {  	v13 =	vnsel vm0, $0x0, v10;
	v11 =	vld.idx.msk [tilespmem:v11+s2+$0x0], $0xffff  }
0xbe: {  	v13 =	vmin.u32 v13, $0x2;
	v14 =	vld.idx.msk [tilespmem:v12+s2+$0x0], $0xffff  }
0xbf: {  	v15 =	vmul.u32 $0x3, v13;
	v12 =	vshll.u32 v13, $0x1  }
0xc0: {  	v12 =	vor.u32 v9, v12  }
0xc1: {  	v13 =	vadd.s32 v9, v15;
	v15 =	vadd.s32 $0x10, v12;
	_ =	sdelay $0x2  }
0xc2: {  	vm0 =	vgt.f32 v14, v11  }
0xc3: {  	v11 =	vsel vm0, $0xD, v6  }
0xc4: {  	v9 =	vadd.s32 v9, v11;
	v11 =	vld.idx.msk [tilespmem:v15+s2+$0x0], $0xffff  }
0xc5: {  	v14 =	vadd.s32 $0x1, v9;
	_ =	sdelay $0x2  }
0xc6: {  	v15 =	vadd.s32 $0xF, v12  }
0xc7: {  	v16 =	vld.idx.msk [tilespmem:v9+s2+$0x0], $0xffff  }
0xc8: {  	v9 =	vmul.f32 v11, v4;
	v14 =	vld.idx.msk [tilespmem:v14+s2+$0x0], $0xffff;
	_ =	sdelay $0x1  }
0xc9: {  	v9 =	vadd.f32 $3.000000000e+01, v9  }
0xca: {  	v11 =	vld.idx.msk [tilespmem:v15+s2+$0x0], $0xffff  }
0xcb: {  	(erf) = vrcp.f32 v9  }
0xcc: {  	v15 =	vand.u32 $0x7FFFFFFF, v16  }
0xcd: {  	v17 =	vand.u32 $0x7FFFFFFF, v14  }
0xce: {  	v18 =	vmax.f32 v17, v15;
	v19 =	vmin.f32 v17, v15;
	vm1 =	vgt.f32 v15, v17  }
0xcf: {  	vm2 =	veq.f32 v18, $0.0e+00  }
0xd0: {  	v15 =	vsel vm2, $0x3F800000, v18;
	v11 =	vmul.f32 v11, v4  }
0xd1: {  	(erf) = vrcp.f32 v15;
	_ =	sdelay $0x2  }
0xd2: {  	v15 =	vpop (erf)  }
0xd3: {  	v15 =	vmul.f32 v15, v11;
	_ =	sdelay $0x1  }
0xd4: {  	v17 =	vand.u32 $0x7FFFFFFF, v15;
	vm2 =	veq.f32 v15, $0.0e+00  }
0xd5: {  	v20 =	vsel vm2, $0x3F800000, v17  }
0xd6: {  	(erf) = vrcp.f32 v20  }
0xd7: {  	v18 =	vpop (erf)  }
0xd8: {  	v18 =	vmul.f32 v18, v19;
	_ =	sdelay $0x1  }
0xd9: {  	v19 =	vmul.f32 v18, v18;
	_ =	sdelay $0x1  }
0xda: {  	vm2 =	vgt.f32 v17, $1.000000000e+00;
	v20 =	vmul.f32 $1.172120030e-02, v19;
	_ =	sdelay $0x1  }
0xdb: {  	v20 =	vsub.f32 $5.265332010e-02, v20  }
0xdc: {  	v21 =	vpop (erf)  }
0xdd: {  	v20 =	vmul.f32 v20, v19;
	v17 =	vsel vm2, v21, v17  }
0xde: {  	v21 =	vmul.f32 v17, v17  }
0xdf: {  	v20 =	vadd.f32 $-1.164328680e-01, v20  }
0xe0: {  	v22 =	vmul.f32 $1.172120030e-02, v21  }
0xe1: {  	v20 =	vmul.f32 v20, v19  }
0xe2: {  	v23 =	vadd.s32 $0x1, v13;
	v22 =	vsub.f32 $5.265332010e-02, v22  }
0xe3: {  	v24 =	vadd.s32 $0x2, v13;
	v20 =	vadd.f32 $1.935434640e-01, v20  }
0xe4: {  	v22 =	vmul.f32 v22, v21  }
0xe5: {  	v20 =	vmul.f32 v20, v19  }
0xe6: {  	v13 =	vld.idx.msk [tilespmem:v13+s2+$0x0], $0xffff;
	v22 =	vadd.f32 $-1.164328680e-01, v22  }
0xe7: {  	v23 =	vld.idx.msk [tilespmem:v23+s2+$0x0], $0xffff;
	v20 =	vadd.f32 $-3.326234820e-01, v20  }
0xe8: {  	v24 =	vld.idx.msk [tilespmem:v24+s2+$0x0], $0xffff;
	v22 =	vmul.f32 v22, v21  }
0xe9: {  	v19 =	vmul.f32 v20, v19  }
0xea: {  	v20 =	vadd.f32 $1.935434640e-01, v22  }
0xeb: {  	v19 =	vadd.f32 $9.999772310e-01, v19  }
0xec: {  	v13 =	vmul.f32 v13, v0;
	v20 =	vmul.f32 v20, v21  }
0xed: {  	v22 =	vmul.f32 v23, v0;
	v18 =	vmul.f32 v19, v18  }
0xee: {  	v13 =	vmul.f32 $1.442695020e+00, v13;
	v19 =	vmul.f32 v24, v0;
	v20 =	vadd.f32 $-3.326234820e-01, v20  }
0xef: {  	v22 =	vmul.f32 $1.442695020e+00, v22;
	v23 =	vsub.f32 $1.570796370e+00, v18  }
0xf0: {  	v20 =	vmul.f32 v20, v21;
	(erf) = vpow2.f32 v13  }
0xf1: {  	v13 =	vmul.f32 $1.442695020e+00, v19;
	v18 =	vsel vm1, v23, v18;
	(erf) = vpow2.f32 v22  }
0xf2: {  	v19 =	vsub.f32 $3.141592740e+00, v18;
	v20 =	vadd.f32 $9.999772310e-01, v20  }
0xf3: {  	v12 =	vadd.s32 $0x11, v12;
	vm1 =	vlt.f32 v14, $0.0e+00;
	(erf) = vpow2.f32 v13  }
0xf4: {  	vm3 =	veq.s32 v10, $0x1;
	v13 =	vsel vm1, v19, v18;
	v14 =	vmul.f32 v20, v17  }
0xf5: {  	v17 =	vsel vm3, $0x3F570A3D, v2;
	vm1 =	vlt.f32 v16, $0.0e+00;
	v16 =	vsub.f32 $0.0e+00, v13  }
0xf6: {  	v8 =	vshll.u32 v8, $0x3;
	v18 =	vsel vm0, $0x3FC90FDB, v7;
	v19 =	vsub.f32 $1.570796370e+00, v14  }
0xf7: {  	vm0 =	vlt.f32 v15, $0.0e+00;
	v15 =	vor.u32 $0x3, v8;
	v13 =	vsel vm1, v16, v13  }
0xf8: {  	vm1 =	vlt.s32 v10, $0x1;
	v10 =	vadd.f32 v13, v18;
	v13 =	vsel vm2, v19, v14  }
0xf9: {  	v14 =	vsel vm1, $0x407851EC, v17;
	v17 =	vor.u32 $0x2, v8;
	v16 =	vsub.f32 $0.0e+00, v13;
	v18 =	vpop (erf)  }
0xfa: {  	v19 =	vsel vm1, $0x3FD0A3D7, v3;
	v14 =	vmul.f32 v14, v18;
	v12 =	vld.idx.msk [tilespmem:v12+s2+$0x0], $0xffff;
	v18 =	vor.u32 $0x1, v8;
	v20 =	vpop (erf)  }
0xfb: {  	v22 =	vsel vm3, $0x3FE147AE, v5;
	v19 =	vmul.f32 v20, v19;
	v13 =	vsel vm0, v16, v13  }
0xfc: {  	v16 =	vsel vm1, $0x3FC3D70A, v22;
	v20 =	vor.u32 $0x4, v8;
	v13 =	vadd.f32 v13, v10;
	v21 =	vpop (erf)  }
0xfd: {  	v16 =	vmul.f32 v21, v16;
	v21 =	vor.u32 $0x5, v8  }
0xfe: {  	[tilespmem:v8+s9+$0x0] =	vst.idx.msk $0xffff, v13;
	v13 =	vor.u32 $0x6, v8  }
0xff: {  	v8 =	vor.u32 $0x7, v8;
	[tilespmem:v18+s9+$0x0] =	vst.idx.msk $0xffff, v14  }
0x100: {  	v12 =	vmul.f32 v12, v4;
	[tilespmem:v17+s9+$0x0] =	vst.idx.msk $0xffff, v19  }
0x101: {  	[tilespmem:v15+s9+$0x0] =	vst.idx.msk $0xffff, v16  }
0x102: {  	[tilespmem:v20+s9+$0x0] =	vst.idx.msk $0xffff, v11  }
0x103: {  	[tilespmem:v21+s9+$0x0] =	vst.idx.msk $0xffff, v9  }
0x104: {  	[tilespmem:v13+s9+$0x0] =	vst.idx.msk $0xffff, v12  }
0x105: {  	[tilespmem:v8+s9+$0x0] =	vst.idx.msk $0xffff, v10  }
0x106: {  	v10 =	vor.u32 s13, v1;
	v8 =	vld [tilespmem:s12+$0x0]  }
0x107: {  	v9 =	vmul.u32 $0x18, v10;
	_ =	sdelay $0x1  }
0x108: {  	v13 =	vadd.s32 $0xA, v9  }
0x109: {  	v14 =	vadd.s32 $0x9, v9  }
0x10a: {  	v11 =	vadd.s32 $0xFFFFFFFF, v8  }
0x10b: {  	vm1 =	vgt.s32 v11, $0x0;
	vm0 =	veq.s32 v11, $0x1  }
0x10c: {  	v8 =	vnsel vm1, $0x0, v11;
	v12 =	vsel vm0, $0x3F570A3D, v2  }
0x10d: {  	v8 =	vmin.u32 v8, $0x2;
	v13 =	vld.idx.msk [tilespmem:v13+s2+$0x0], $0xffff  }
0x10e: {  	v15 =	vmul.u32 $0x3, v8;
	v14 =	vld.idx.msk [tilespmem:v14+s2+$0x0], $0xffff;
	v8 =	vshll.u32 v8, $0x1  }
0x10f: {  	v8 =	vor.u32 v9, v8  }
0x110: {  	v15 =	vadd.s32 v9, v15;
	v16 =	vadd.s32 $0xF, v8;
	v17 =	vadd.s32 $0x10, v8  }
0x111: {  	v8 =	vadd.s32 $0x11, v8;
	v18 =	vadd.s32 $0x1, v15;
	v19 =	vadd.s32 $0x2, v15;
	_ =	sdelay $0x2  }
0x112: {  	vm1 =	vgt.f32 v13, v14  }
0x113: {  	v13 =	vsel vm1, $0xD, v6;
	v14 =	vld.idx.msk [tilespmem:v17+s2+$0x0], $0xffff  }
0x114: {  	v9 =	vadd.s32 v9, v13;
	v16 =	vld.idx.msk [tilespmem:v16+s2+$0x0], $0xffff  }
0x115: {  	v17 =	vadd.s32 $0x1, v9;
	v15 =	vld.idx.msk [tilespmem:v15+s2+$0x0], $0xffff  }
0x116: {  	v18 =	vld.idx.msk [tilespmem:v18+s2+$0x0], $0xffff  }
0x117: {  	v19 =	vld.idx.msk [tilespmem:v19+s2+$0x0], $0xffff  }
0x118: {  	v13 =	vld.idx.msk [tilespmem:v8+s2+$0x0], $0xffff  }
0x119: {  	v8 =	vmul.f32 v14, v4;
	v20 =	vld.idx.msk [tilespmem:v9+s2+$0x0], $0xffff  }
0x11a: {  	v14 =	vld.idx.msk [tilespmem:v17+s2+$0x0], $0xffff  }
0x11b: {  	v9 =	vmul.f32 v15, v0;
	v8 =	vadd.f32 $3.000000000e+01, v8  }
0x11c: {  	v15 =	vmul.f32 v18, v0  }
0x11d: {  	v9 =	vmul.f32 $1.442695020e+00, v9;
	(erf) = vrcp.f32 v8  }
0x11e: {  	v17 =	vmul.f32 v19, v0;
	v15 =	vmul.f32 $1.442695020e+00, v15  }
0x11f: {  	(erf) = vpow2.f32 v9  }
0x120: {  	v18 =	vand.u32 $0x7FFFFFFF, v20;
	v9 =	vand.u32 $0x7FFFFFFF, v14;
	(erf) = vpow2.f32 v15  }
0x121: {  	v15 =	vmax.f32 v9, v18;
	v19 =	vmin.f32 v9, v18;
	vm2 =	vgt.f32 v18, v9  }
0x122: {  	v17 =	vmul.f32 $1.442695020e+00, v17;
	vm3 =	veq.f32 v15, $0.0e+00  }
0x123: {  	v15 =	vsel vm3, $0x3F800000, v15  }
0x124: {  	v9 =	vmul.f32 v16, v4;
	(erf) = vrcp.f32 v15  }
0x125: {  	(erf) = vpow2.f32 v17  }
0x126: {  	v15 =	vpop (erf)  }
0x127: {  	v15 =	vmul.f32 v15, v9  }
0x128: {  	v16 =	vpop (erf)  }
0x129: {  	v17 =	vand.u32 $0x7FFFFFFF, v15;
	vm3 =	veq.f32 v15, $0.0e+00;
	v18 =	vpop (erf)  }
0x12a: {  	v21 =	vsel vm3, $0x3F800000, v17  }
0x12b: {  	(erf) = vrcp.f32 v21;
	_ =	sdelay $0x1  }
0x12c: {  	v21 =	vpop (erf)  }
0x12d: {  	v19 =	vmul.f32 v21, v19;
	v21 =	vpop (erf);
	_ =	sdelay $0x1  }
0x12e: {  	v22 =	vmul.f32 v19, v19;
	_ =	sdelay $0x1  }
0x12f: {  	v23 =	vmul.f32 $1.172120030e-02, v22  }
0x130: {  	vm3 =	vgt.f32 v17, $1.000000000e+00  }
0x131: {  	v23 =	vsub.f32 $5.265332010e-02, v23;
	v24 =	vpop (erf)  }
0x132: {  	v17 =	vsel vm3, v24, v17  }
0x133: {  	v23 =	vmul.f32 v23, v22;
	v24 =	vmul.f32 v17, v17;
	_ =	sdelay $0x1  }
0x134: {  	v23 =	vadd.f32 $-1.164328680e-01, v23;
	v25 =	vmul.f32 $1.172120030e-02, v24;
	_ =	sdelay $0x1  }
0x135: {  	v23 =	vmul.f32 v23, v22;
	v25 =	vsub.f32 $5.265332010e-02, v25;
	_ =	sdelay $0x1  }
0x136: {  	v23 =	vadd.f32 $1.935434640e-01, v23;
	v25 =	vmul.f32 v25, v24;
	_ =	sdelay $0x1  }
0x137: {  	v23 =	vmul.f32 v23, v22;
	v25 =	vadd.f32 $-1.164328680e-01, v25;
	_ =	sdelay $0x1  }
0x138: {  	v23 =	vadd.f32 $-3.326234820e-01, v23;
	v25 =	vmul.f32 v25, v24;
	_ =	sdelay $0x1  }
0x139: {  	v22 =	vmul.f32 v23, v22;
	v23 =	vadd.f32 $1.935434640e-01, v25;
	_ =	sdelay $0x1  }
0x13a: {  	v22 =	vadd.f32 $9.999772310e-01, v22;
	v23 =	vmul.f32 v23, v24;
	_ =	sdelay $0x1  }
0x13b: {  	v19 =	vmul.f32 v22, v19;
	v22 =	vadd.f32 $-3.326234820e-01, v23;
	_ =	sdelay $0x1  }
0x13c: {  	v23 =	vsub.f32 $1.570796370e+00, v19;
	v22 =	vmul.f32 v22, v24;
	_ =	sdelay $0x1  }
0x13d: {  	v19 =	vsel vm2, v23, v19;
	v22 =	vadd.f32 $9.999772310e-01, v22  }
0x13e: {  	v23 =	vsub.f32 $3.141592740e+00, v19  }
0x13f: {  	vm2 =	vlt.f32 v14, $0.0e+00;
	v14 =	vmul.f32 v22, v17  }
0x140: {  	v17 =	vsel vm2, v23, v19  }
0x141: {  	v22 =	vsel vm1, $0x3FC90FDB, v7;
	v19 =	vsub.f32 $0.0e+00, v17;
	v23 =	vsub.f32 $1.570796370e+00, v14  }
0x142: {  	vm1 =	vlt.f32 v20, $0.0e+00;
	vm2 =	vlt.f32 v15, $0.0e+00;
	v15 =	vshll.u32 v10, $0x3  }
0x143: {  	v10 =	vsel vm1, v19, v17;
	v17 =	vsel vm3, v23, v14;
	v14 =	vor.u32 $0x4, v15  }
0x144: {  	v20 =	vor.u32 $0x1, v15;
	v10 =	vadd.f32 v10, v22;
	v19 =	vsub.f32 $0.0e+00, v17  }
0x145: {  	vm1 =	vlt.s32 v11, $0x1;
	v23 =	vor.u32 $0x3, v15;
	v22 =	vor.u32 $0x2, v15  }
0x146: {  	v11 =	vsel vm1, $0x407851EC, v12;
	v12 =	vsel vm0, $0x3FE147AE, v5;
	v17 =	vsel vm2, v19, v17  }
0x147: {  	v16 =	vmul.f32 v11, v16;
	v19 =	vsel vm1, $0x3FD0A3D7, v3;
	v17 =	vadd.f32 v17, v10  }
.Ltmp0:
0x148: {  	v12 =	vsel vm1, $0x3FC3D70A, v12;
	v11 =	vor.u32 $0x5, v15;
	v18 =	vmul.f32 v18, v19;
	(pc) =	sbr.rel @p0 .LBB2_2-.Ltmp0, $4  }
0x149: {  	v19 =	vmul.f32 v21, v12;
	v12 =	vor.u32 $0x6, v15;
	[tilespmem:v15+s9+$0x0] =	vst.idx.msk $0xffff, v17  }
0x14a: {  	v15 =	vor.u32 $0x7, v15;
	[tilespmem:v20+s9+$0x0] =	vst.idx.msk $0xffff, v16  }
0x14b: {  	[tilespmem:v22+s9+$0x0] =	vst.idx.msk $0xffff, v18  }
0x14c: {  	v13 =	vmul.f32 v13, v4;
	[tilespmem:v23+s9+$0x0] =	vst.idx.msk $0xffff, v19  }
0x14d: {  	_ =	sdelay $0x3  }
0x14e: {  	[tilespmem:v14+s9+$0x0] =	vst.idx.msk $0xffff, v9  }
0x14f: {  	s11 =	sadd.s32 $0x1, s11;
	[tilespmem:v11+s9+$0x0] =	vst.idx.msk $0xffff, v8  }
0x150: {  	p0 =	sne.s32 s11, s6;
	[tilespmem:v12+s9+$0x0] =	vst.idx.msk $0xffff, v13  }
.Ltmp1:
0x151: {  	[tilespmem:v15+s9+$0x0] =	vst.idx.msk $0xffff, v10;
	(pc) =	sbr.rel @p0 .LBB2_1-.Ltmp1, $4  }
0x152: {  	[hbm4b:s5+s2] =	stream.linear.scatter [tilespmem:s9], [sflag:$0x2], $0x500, $0x38;
	[tilespmem:$0x14A0] =	vst v63  }
0x153: {  	_ =	swait.ge [sflag:s10], $0x500  }
0x154: {  	[sflag:s10] =	ssyncset.done $0x0  }
0x155: {  	[sflag:s10] =	ssyncadd.s32 $0xFFFFFB00  }
0x156: {  	_ =	sfence.sel $0x180000  }
0x157: {  	[bflag:$0x0] =	sbarrier.arrive $0xFFFF  }
0x158: {  	p0 =	sne.s32 s1, $0x0;
	_ =	strace $0x90000047  }
0x159: {  	s0 =	sadd.s32 @!p0 $0x100000, s0;
	[bflag:$0x2] =	sbarrier.arrive $0xFFFF  }
0x15a: {  	[sflag:s0] =	ssyncadd.tile.s32 @!p0 $0x1;
	_ =	shalt  }
.Lfunc_end2:
_tile_overlayer_lowered:
.L_overlay_start_2:
0x15b: {  	(tag) =	ssettag $0x2  }
0x15c: {  	s0 =	rddreg [dreg:$0x0];
	s2 =	stileid.u32  }
0x15d: {  	s1 =	rddreg [dreg:$0x1];
	p0 =	sne.s32 s2, $0x0  }
0x15e: {  	s3 =	rddreg [dreg:$0x2];
	[bflag:$0x3] =	sbarrier.arrive $0xFFFF;
	s2 =	simm.s32 @!p0 $0x1C02  }
0x15f: {  	[timem:s3], [sflag:s2] =	dma.local @!p0 [hbm:s0], s1  }
0x160: {  	s0 =	simm.s32 @!p0 $0x2  }
0x161: {  	_ =	swait.ge @!p0 [sflag:s0], s1  }
0x162: {  	s1 =	ssub.s32 @!p0 $0x0, s1;
	[sflag:s0] =	ssyncset.done @!p0 $0x0  }
0x163: {  	[sflag:s0] =	ssyncadd.s32 @!p0 s1  }
0x164: {  	[bflag:$0x3] =	sbarrier.arrive $0xFFFF  }
0x165: {  	_ =	shalt  }

</sc_bundles>
